<compile_context>
chip_gen: v7x
topology: tpu7x:2x2x1
jax: 0.10.2.dev20260603
libtpu: 0.0.44.dev20260713+nightly
codegen_flags: <defaults>
</compile_context>

<pallas_src>
import jax
import jax.numpy as jnp
from jax import lax
from jax.experimental import pallas as pl
from jax.experimental.pallas import tpu as pltpu
from jax.experimental.pallas import tpu_sc as plsc

N = 10000
E = 320000
D = 128
EPS = 0.0

NC = 2
NS = 16
NW = NC * NS
K = 80
G = 5
NCHUNK = 125
NGRP = NCHUNK // G
EPW = NCHUNK * K
NBUF = 4
GA = 3
SOFF = NBUF - GA - 1
ZB = 80
NB = N // ZB
BPT = -(-NB // NS)


def _sc_agg_kernel(x_hbm, edge_hbm, out_hbm,
                   acc, sidx, didx, rows, gsem, ssem, isem):
    cid = lax.axis_index("c")
    tid = lax.axis_index("s")
    wid = cid * NS + tid

    def istart(g):
        gb = g % 2
        pltpu.async_copy(edge_hbm.at[0, wid, g], sidx.at[gb], isem)
        pltpu.async_copy(edge_hbm.at[1, wid, g], didx.at[gb], isem)

    def iwait():
        pltpu.make_async_copy(edge_hbm.at[0, wid, 0], sidx.at[0], isem).wait()
        pltpu.make_async_copy(edge_hbm.at[1, wid, 0], didx.at[0], isem).wait()

    def gstart(c, b):
        gb = (c // G) % 2
        s = c % G
        pltpu.async_copy(x_hbm.at[sidx.at[gb, s]], rows.at[b], gsem.at[b])

    def gwait(b):
        pltpu.make_async_copy(x_hbm.at[pl.ds(0, K)], rows.at[b],
                              gsem.at[b]).wait()

    def sstart(c, b):
        gb = (c // G) % 2
        s = c % G
        pltpu.async_copy(rows.at[b], acc.at[didx.at[gb, s]], ssem.at[b],
                         add=True)

    def swait(b):
        pltpu.make_async_copy(x_hbm.at[pl.ds(0, K)], rows.at[b],
                              ssem.at[b]).wait()

    istart(0)

    zbuf = rows.at[NBUF - 1]

    def zero_body(i, _):
        r = i // (D // 16)
        c = (i % (D // 16)) * 16
        zbuf[r, pl.ds(c, 16)] = jnp.zeros((16,), jnp.float32)
        return 0

    lax.fori_loop(0, ZB * (D // 16), zero_body, 0)

    iwait()
    for c in range(GA):
        gstart(c, c)

    def zcopy_body(j, _):
        b = j * NS + tid

        @pl.when(b < NB)
        def _():
            pltpu.sync_copy(zbuf, acc.at[pl.ds(b * ZB, ZB)])

        return 0

    lax.fori_loop(0, BPT, zcopy_body, 0)
    plsc.subcore_barrier()

    def edge_body(i, _):
        b = i % NBUF
        g = i // G
        s = i % G

        gwait(b)
        pl.when(i >= NBUF - GA)(lambda: swait((i + GA) % NBUF))
        pl.when((s == SOFF) & (g + 1 < NGRP))(lambda: istart(g + 1))
        pl.when((s == G - GA) & (g + 1 < NGRP))(iwait)
        pl.when(i + GA < NCHUNK)(lambda: gstart(i + GA, (i + GA) % NBUF))
        sstart(i, b)
        return 0

    lax.fori_loop(0, NCHUNK, edge_body, 0)
    for t in range(NBUF - GA):
        swait((NCHUNK - (NBUF - GA) + t) % NBUF)
    plsc.subcore_barrier()

    def out_body(j, _):
        b = j * NS + tid

        @pl.when(b < NB)
        def _():
            ob = j % 2
            r = b * ZB

            @pl.when(j >= 2)
            def _():
                pltpu.make_async_copy(rows.at[ob], out_hbm.at[0, pl.ds(0, ZB)],
                                      ssem.at[ob]).wait()

            pltpu.async_copy(acc.at[pl.ds(r, ZB)], rows.at[ob],
                             gsem.at[ob]).wait()
            pltpu.async_copy(rows.at[ob], out_hbm.at[cid, pl.ds(r, ZB)],
                             ssem.at[ob])

        return 0

    lax.fori_loop(0, BPT, out_body, 0)
    for ob in range(2):
        pltpu.make_async_copy(rows.at[ob], out_hbm.at[0, pl.ds(0, ZB)],
                              ssem.at[ob]).wait()


def _sc_aggregate(x, edges):
    mesh = plsc.VectorSubcoreMesh(
        core_axis_name="c", subcore_axis_name="s",
        num_cores=NC, num_subcores=NS)
    return pl.kernel(
        _sc_agg_kernel,
        out_type=jax.ShapeDtypeStruct((NC, N, D), jnp.float32),
        mesh=mesh,
        scratch_types=[
            pltpu.VMEM_SHARED((N, D), jnp.float32),
            pltpu.VMEM((2, G, K), jnp.int32),
            pltpu.VMEM((2, G, K), jnp.int32),
            pltpu.VMEM((NBUF, K, D), jnp.float32),
            pltpu.SemaphoreType.DMA((NBUF,)),
            pltpu.SemaphoreType.DMA((NBUF,)),
            pltpu.SemaphoreType.DMA,
        ],
    )(x, edges)


def _tc_mlp_kernel(x_ref, p_ref, w1_ref, b1_ref, w2_ref, b2_ref,
                   out_ref):
    s = (1.0 + EPS) * x_ref[...] + p_ref[0] + p_ref[1]
    h = jnp.dot(s, w1_ref[...], preferred_element_type=jnp.float32)
    h = jnp.maximum(h + b1_ref[...], 0.0)
    z = jnp.dot(h, w2_ref[...], preferred_element_type=jnp.float32)
    out_ref[...] = z + b2_ref[...]


def _tc_mlp(x, partials, W1, b1, W2, b2):
    BT = 2000
    grid = (N // BT,)
    row_spec = pl.BlockSpec((BT, D), lambda i: (i, 0))
    p_spec = pl.BlockSpec((NC, BT, D), lambda i: (0, i, 0))
    full = pl.BlockSpec((D, D), lambda i: (0, 0))
    bias = pl.BlockSpec((1, D), lambda i: (0, 0))
    return pl.pallas_call(
        _tc_mlp_kernel,
        grid=grid,
        in_specs=[row_spec, p_spec, full, bias, full, bias],
        out_specs=row_spec,
        out_shape=jax.ShapeDtypeStruct((N, D), jnp.float32),
    )(x, partials, W1, b1.reshape(1, D), W2, b2.reshape(1, D))


@jax.jit
def kernel(x, edge_index, W1, b1, W2, b2):
    edges = edge_index.reshape(2, NW, NGRP, G, K)
    partials = _sc_aggregate(x, edges)
    return _tc_mlp(x, partials, W1, b1, W2, b2)

# --- scband reference (transcript-rebuilt; emitter-appended) ---
"""Pipeline reference for scband-ginconv-50105088475805 (READ-ONLY COPY).

The authoritative reference and input builder live on the scoring server;
editing this copy changes nothing except your own understanding.
"""

import jax, jax.numpy as jnp
import numpy as np

N = 10000
E = 320000
D = 128
H = 128
C = 128
EPS = 0.0


def setup_inputs(seed: int = 0) -> dict:
    key = jax.random.key(seed)
    ks = jax.random.split(key, 6)
    x = jax.random.normal(ks[0], (N, D), dtype=jnp.float32)
    edge_index = jax.random.randint(ks[1], (2, E), 0, N, dtype=jnp.int32)
    W1 = jax.random.normal(ks[2], (D, H), dtype=jnp.float32) * (1.0 / np.sqrt(D))
    b1 = jnp.zeros((H,), dtype=jnp.float32)
    W2 = jax.random.normal(ks[3], (H, C), dtype=jnp.float32) * (1.0 / np.sqrt(H))
    b2 = jnp.zeros((C,), dtype=jnp.float32)
    return {"x": x, "edge_index": edge_index, "W1": W1, "b1": b1, "W2": W2, "b2": b2}


def reference(x, edge_index, W1, b1, W2, b2):
    # GIN aggregation: Z_i = MLP((1 + eps) * X_i + sum_{j in N(i)} X_j)
    src = edge_index[0]
    dst = edge_index[1]
    gathered = jnp.take(x, src, axis=0)           # gather neighbor features (memory-bound)
    agg = jax.ops.segment_sum(gathered, dst, num_segments=N)  # scatter-add over dst nodes
    out = (1.0 + EPS) * x + agg
    # MLP: one hidden layer (mlp_channels, relu) + output layer (channels, linear)
    h = jax.nn.relu(out @ W1 + b1)
    z = h @ W2 + b2
    return z

if __name__ == "__main__":
    import jax
    _d = setup_inputs()
    print(jax.jit(kernel)(*tuple(_d.values())))

</pallas_src>

<mosaic_0001>
#map = affine_map<(d0, d1) -> (0, 0)>
#map1 = affine_map<(d0, d1) -> (0, 0, 0, 0, 0)>
#map2 = affine_map<(d0, d1) -> (0, 0, 0)>
module attributes {stable_mosaic.version = 14 : i64} {
  func.func @_sc_agg_kernel(%arg0: i32, %arg1: i32, %arg2: memref<10000x128xf32, #tpu.memory_space<hbm>>, %arg3: memref<2x32x25x5x80xi32, #tpu.memory_space<hbm>>, %arg4: memref<2x10000x128xf32, #tpu.memory_space<hbm>>, %arg5: memref<10000x128xf32, #tpu.memory_space<vmem_shared>>, %arg6: memref<2x5x80xi32, #tpu.memory_space<vmem>>, %arg7: memref<2x5x80xi32, #tpu.memory_space<vmem>>, %arg8: memref<4x80x128xf32, #tpu.memory_space<vmem>>, %arg9: memref<4x!tpu.dma_semaphore, #tpu.memory_space<semaphore_mem>>, %arg10: memref<4x!tpu.dma_semaphore, #tpu.memory_space<semaphore_mem>>, %arg11: memref<!tpu.dma_semaphore, #tpu.memory_space<semaphore_mem>>) attributes {dimension_semantics = [#tpu.dimension_semantics<core_parallel>, #tpu.dimension_semantics<subcore_parallel>], iteration_bounds = array<i64: 2, 16>, scalar_prefetch = 0 : i64, scratch_operands = 7 : i64, tpu.core_type = #tpu.core_type<sc_vector_subcore>, window_params = [{transform_indices = #map}, {transform_indices = #map1}, {transform_indices = #map2}]} {
    %mul3A = arith.constant 16 : i32
    %mul3A_0 = arith.muli %arg0, %mul3A : i32
    %add3A = arith.addi %mul3A_0, %arg1 : i32
    %dma_start3A = arith.constant 0 : i32
    %dma_start3A_1 = arith.constant 0 : i32
    %dma_start3A_2 = arith.constant 0 : i32
    %dma_start3A_3 = arith.constant 0 : i32
    %dma_start3A_4 = arith.constant 0 : i32
    %dma_start3A_5 = tpu.memref_slice %arg6[%dma_start3A_2, %dma_start3A_3, %dma_start3A_4] : memref<2x5x80xi32, #tpu.memory_space<vmem>> -> memref<1x5x80xi32, #tpu.memory_space<vmem>>
    %dma_start3A_6 = tpu.memref_squeeze %dma_start3A_5 : memref<1x5x80xi32, #tpu.memory_space<vmem>> -> memref<5x80xi32, #tpu.memory_space<vmem>>
    %dma_start3A_7 = arith.constant 0 : i32
    %dma_start3A_8 = arith.constant 0 : i32
    %dma_start3A_9 = tpu.memref_slice %arg3[%dma_start3A, %add3A, %dma_start3A_1, %dma_start3A_7, %dma_start3A_8] : memref<2x32x25x5x80xi32, #tpu.memory_space<hbm>> -> memref<1x1x1x5x80xi32, #tpu.memory_space<hbm>>
    %dma_start3A_10 = tpu.memref_squeeze %dma_start3A_9 : memref<1x1x1x5x80xi32, #tpu.memory_space<hbm>> -> memref<5x80xi32, #tpu.memory_space<hbm>>
    %dma_start3A_11 = arith.constant 0 : i32
    %dma_start3A_12 = arith.constant 0 : i32
    %dma_start3A_13 = tpu.memref_slice %arg6[%dma_start3A_2, %dma_start3A_11, %dma_start3A_12] : memref<2x5x80xi32, #tpu.memory_space<vmem>> -> memref<1x5x80xi32, #tpu.memory_space<vmem>>
    %dma_start3A_14 = tpu.memref_squeeze %dma_start3A_13 : memref<1x5x80xi32, #tpu.memory_space<vmem>> -> memref<5x80xi32, #tpu.memory_space<vmem>>
    %dma_start3A_15 = arith.constant 0 : i32
    %dma_start3A_16 = arith.constant 0 : i32
    %dma_start3A_17 = tpu.memref_slice %arg3[%dma_start3A, %add3A, %dma_start3A_1, %dma_start3A_15, %dma_start3A_16] : memref<2x32x25x5x80xi32, #tpu.memory_space<hbm>> -> memref<1x1x1x5x80xi32, #tpu.memory_space<hbm>>
    %dma_start3A_18 = tpu.memref_squeeze %dma_start3A_17 : memref<1x1x1x5x80xi32, #tpu.memory_space<hbm>> -> memref<5x80xi32, #tpu.memory_space<hbm>>
    tpu.enqueue_dma source(%dma_start3A_18 : memref<5x80xi32, #tpu.memory_space<hbm>>) target(%dma_start3A_14 : memref<5x80xi32, #tpu.memory_space<vmem>>) target_semaphore(%arg11 : memref<!tpu.dma_semaphore, #tpu.memory_space<semaphore_mem>>)
    %dma_start3A_19 = arith.constant 1 : i32
    %dma_start3A_20 = arith.constant 0 : i32
    %dma_start3A_21 = arith.constant 0 : i32
    %dma_start3A_22 = arith.constant 0 : i32
    %dma_start3A_23 = arith.constant 0 : i32
    %dma_start3A_24 = tpu.memref_slice %arg7[%dma_start3A_21, %dma_start3A_22, %dma_start3A_23] : memref<2x5x80xi32, #tpu.memory_space<vmem>> -> memref<1x5x80xi32, #tpu.memory_space<vmem>>
    %dma_start3A_25 = tpu.memref_squeeze %dma_start3A_24 : memref<1x5x80xi32, #tpu.memory_space<vmem>> -> memref<5x80xi32, #tpu.memory_space<vmem>>
    %dma_start3A_26 = arith.constant 0 : i32
    %dma_start3A_27 = arith.constant 0 : i32
    %dma_start3A_28 = tpu.memref_slice %arg3[%dma_start3A_19, %add3A, %dma_start3A_20, %dma_start3A_26, %dma_start3A_27] : memref<2x32x25x5x80xi32, #tpu.memory_space<hbm>> -> memref<1x1x1x5x80xi32, #tpu.memory_space<hbm>>
    %dma_start3A_29 = tpu.memref_squeeze %dma_start3A_28 : memref<1x1x1x5x80xi32, #tpu.memory_space<hbm>> -> memref<5x80xi32, #tpu.memory_space<hbm>>
    %dma_start3A_30 = arith.constant 0 : i32
    %dma_start3A_31 = arith.constant 0 : i32
    %dma_start3A_32 = tpu.memref_slice %arg7[%dma_start3A_21, %dma_start3A_30, %dma_start3A_31] : memref<2x5x80xi32, #tpu.memory_space<vmem>> -> memref<1x5x80xi32, #tpu.memory_space<vmem>>
    %dma_start3A_33 = tpu.memref_squeeze %dma_start3A_32 : memref<1x5x80xi32, #tpu.memory_space<vmem>> -> memref<5x80xi32, #tpu.memory_space<vmem>>
    %dma_start3A_34 = arith.constant 0 : i32
    %dma_start3A_35 = arith.constant 0 : i32
    %dma_start3A_36 = tpu.memref_slice %arg3[%dma_start3A_19, %add3A, %dma_start3A_20, %dma_start3A_34, %dma_start3A_35] : memref<2x32x25x5x80xi32, #tpu.memory_space<hbm>> -> memref<1x1x1x5x80xi32, #tpu.memory_space<hbm>>
    %dma_start3A_37 = tpu.memref_squeeze %dma_start3A_36 : memref<1x1x1x5x80xi32, #tpu.memory_space<hbm>> -> memref<5x80xi32, #tpu.memory_space<hbm>>
    tpu.enqueue_dma source(%dma_start3A_37 : memref<5x80xi32, #tpu.memory_space<hbm>>) target(%dma_start3A_33 : memref<5x80xi32, #tpu.memory_space<vmem>>) target_semaphore(%arg11 : memref<!tpu.dma_semaphore, #tpu.memory_space<semaphore_mem>>)
    %scan3A = arith.constant 3 : i32
    %scan3A_38 = arith.constant 0 : i32
    %scan3A_39 = arith.constant 0 : i32
    %scan3A_40 = arith.constant 640 : i32
    %scan3A_41 = arith.addi %scan3A_39, %scan3A_40 : i32
    %scan3A_42 = arith.constant 1 : i32
    %scan3A_43 = scf.for %scan3A_213 = %scan3A_39 to %scan3A_41 step %scan3A_42 iter_args(%scan3A_214 = %scan3A_38) -> (i32)  : i32 {
      %jit3A = arith.constant 8 : i32
      %div3A = arith.divsi %scan3A_213, %jit3A : i32
      %sign3A = arith.constant 0 : i32
      %sign3A_215 = arith.cmpi sgt, %scan3A_213, %sign3A : i32
      %sign3A_216 = arith.extui %sign3A_215 : i1 to i32
      %sign3A_217 = arith.constant 0 : i32
      %sign3A_218 = arith.cmpi slt, %scan3A_213, %sign3A_217 : i32
      %sign3A_219 = arith.extui %sign3A_218 : i1 to i32
      %sign3A_220 = arith.subi %sign3A_216, %sign3A_219 : i32
      %sign3A_221 = arith.constant 0 : i32
      %sign3A_222 = arith.cmpi sgt, %jit3A, %sign3A_221 : i32
      %sign3A_223 = arith.extui %sign3A_222 : i1 to i32
      %sign3A_224 = arith.constant 0 : i32
      %sign3A_225 = arith.cmpi slt, %jit3A, %sign3A_224 : i32
      %sign3A_226 = arith.extui %sign3A_225 : i1 to i32
      %sign3A_227 = arith.subi %sign3A_223, %sign3A_226 : i32
      %ne3A = arith.cmpi ne, %sign3A_220, %sign3A_227 : i32
      %rem3A = arith.remsi %scan3A_213, %jit3A : i32
      %ne3A_228 = arith.constant 0 : i32
      %ne3A_229 = arith.cmpi ne, %rem3A, %ne3A_228 : i32
      %and3A = arith.andi %ne3A, %ne3A_229 : i1
      %sub3A = arith.constant 1 : i32
      %sub3A_230 = arith.subi %div3A, %sub3A : i32
      %select_n3A = arith.select %and3A, %sub3A_230, %div3A : i32
      %jit3A_231 = arith.constant 8 : i32
      %eq3A = arith.constant 0 : i32
      %eq3A_232 = arith.cmpi eq, %jit3A_231, %eq3A : i32
      %jit3A_233 = arith.constant 1 : i32
      %select_n3A_234 = arith.select %eq3A_232, %jit3A_233, %jit3A_231 : i32
      %rem3A_235 = arith.remsi %scan3A_213, %select_n3A_234 : i32
      %ne3A_236 = arith.constant 0 : i32
      %ne3A_237 = arith.cmpi ne, %rem3A_235, %ne3A_236 : i32
      %lt3A = arith.constant 0 : i32
      %lt3A_238 = arith.cmpi slt, %rem3A_235, %lt3A : i32
      %lt3A_239 = arith.constant 0 : i32
      %lt3A_240 = arith.cmpi slt, %select_n3A_234, %lt3A_239 : i32
      %ne3A_241 = arith.xori %lt3A_238, %lt3A_240 : i1
      %and3A_242 = arith.andi %ne3A_241, %ne3A_237 : i1
      %add3A_243 = arith.addi %rem3A_235, %select_n3A_234 : i32
      %select_n3A_244 = arith.select %and3A_242, %add3A_243, %rem3A_235 : i32
      %mul3A_245 = arith.constant 16 : i32
      %mul3A_246 = arith.muli %select_n3A_244, %mul3A_245 : i32
      %broadcast_in_dim3A = arith.constant 0.000000e+00 : f32
      %broadcast_in_dim3A_247 = vector.broadcast %broadcast_in_dim3A : f32 to vector<16xf32>
      %swap3A = arith.constant 0 : i32
      %swap3A_248 = arith.constant 0 : i32
      %swap3A_249 = tpu.memref_slice %arg8[%scan3A, %swap3A, %swap3A_248] : memref<4x80x128xf32, #tpu.memory_space<vmem>> -> memref<1x80x128xf32, #tpu.memory_space<vmem>>
      %swap3A_250 = tpu.memref_squeeze %swap3A_249 : memref<1x80x128xf32, #tpu.memory_space<vmem>> -> memref<80x128xf32, #tpu.memory_space<vmem>>
      %swap3A_251 = arith.index_cast %select_n3A : i32 to index
      %swap3A_252 = arith.index_cast %mul3A_246 : i32 to index
      %swap3A_253 = tpu.vector_load %swap3A_250[%swap3A_251, %swap3A_252] {strides = array<i32>} : memref<80x128xf32, #tpu.memory_space<vmem>>, vector<1x16xf32>,
      %swap3A_254 = vector.shape_cast %swap3A_253 : vector<1x16xf32> to vector<16xf32>
      %swap3A_255 = vector.shape_cast %broadcast_in_dim3A_247 : vector<16xf32> to vector<1x16xf32>
      tpu.vector_store %swap3A_250[%swap3A_251, %swap3A_252], %swap3A_255 {strides = array<i32>} : memref<80x128xf32, #tpu.memory_space<vmem>>, vector<1x16xf32>,
      %scan3A_256 = arith.constant 0 : i32
      scf.yield %scan3A_256 : i32
    }
    %scan3A_44 = arith.constant 640 : i32
    %dma_wait3A = arith.constant 0 : i32
    %dma_wait3A_45 = arith.constant 0 : i32
    %dma_wait3A_46 = arith.constant 0 : i32
    %dma_wait3A_47 = arith.constant 0 : i32
    %dma_wait3A_48 = arith.constant 0 : i32
    %dma_wait3A_49 = tpu.memref_slice %arg6[%dma_wait3A_46, %dma_wait3A_47, %dma_wait3A_48] : memref<2x5x80xi32, #tpu.memory_space<vmem>> -> memref<1x5x80xi32, #tpu.memory_space<vmem>>
    %dma_wait3A_50 = tpu.memref_squeeze %dma_wait3A_49 : memref<1x5x80xi32, #tpu.memory_space<vmem>> -> memref<5x80xi32, #tpu.memory_space<vmem>>
    %dma_wait3A_51 = arith.constant 0 : i32
    %dma_wait3A_52 = arith.constant 0 : i32
    %dma_wait3A_53 = tpu.memref_slice %arg3[%dma_wait3A, %add3A, %dma_wait3A_45, %dma_wait3A_51, %dma_wait3A_52] : memref<2x32x25x5x80xi32, #tpu.memory_space<hbm>> -> memref<1x1x1x5x80xi32, #tpu.memory_space<hbm>>
    %dma_wait3A_54 = tpu.memref_squeeze %dma_wait3A_53 : memref<1x1x1x5x80xi32, #tpu.memory_space<hbm>> -> memref<5x80xi32, #tpu.memory_space<hbm>>
    %dma_wait3A_55 = arith.constant 0 : i32
    %dma_wait3A_56 = arith.constant 0 : i32
    %dma_wait3A_57 = tpu.memref_slice %arg6[%dma_wait3A_46, %dma_wait3A_55, %dma_wait3A_56] : memref<2x5x80xi32, #tpu.memory_space<vmem>> -> memref<1x5x80xi32, #tpu.memory_space<vmem>>
    %dma_wait3A_58 = tpu.memref_squeeze %dma_wait3A_57 : memref<1x5x80xi32, #tpu.memory_space<vmem>> -> memref<5x80xi32, #tpu.memory_space<vmem>>
    %dma_wait3A_59 = arith.constant 0 : i32
    %dma_wait3A_60 = arith.constant 0 : i32
    %dma_wait3A_61 = tpu.memref_slice %arg3[%dma_wait3A, %add3A, %dma_wait3A_45, %dma_wait3A_59, %dma_wait3A_60] : memref<2x32x25x5x80xi32, #tpu.memory_space<hbm>> -> memref<1x1x1x5x80xi32, #tpu.memory_space<hbm>>
    %dma_wait3A_62 = tpu.memref_squeeze %dma_wait3A_61 : memref<1x1x1x5x80xi32, #tpu.memory_space<hbm>> -> memref<5x80xi32, #tpu.memory_space<hbm>>
    tpu.wait_dma2 semaphore(%arg11 : memref<!tpu.dma_semaphore, #tpu.memory_space<semaphore_mem>>) src(%dma_wait3A_62 : memref<5x80xi32, #tpu.memory_space<hbm>>) dst(%dma_wait3A_58 : memref<5x80xi32, #tpu.memory_space<vmem>>)
    %dma_wait3A_63 = arith.constant 1 : i32
    %dma_wait3A_64 = arith.constant 0 : i32
    %dma_wait3A_65 = arith.constant 0 : i32
    %dma_wait3A_66 = arith.constant 0 : i32
    %dma_wait3A_67 = arith.constant 0 : i32
    %dma_wait3A_68 = tpu.memref_slice %arg7[%dma_wait3A_65, %dma_wait3A_66, %dma_wait3A_67] : memref<2x5x80xi32, #tpu.memory_space<vmem>> -> memref<1x5x80xi32, #tpu.memory_space<vmem>>
    %dma_wait3A_69 = tpu.memref_squeeze %dma_wait3A_68 : memref<1x5x80xi32, #tpu.memory_space<vmem>> -> memref<5x80xi32, #tpu.memory_space<vmem>>
    %dma_wait3A_70 = arith.constant 0 : i32
    %dma_wait3A_71 = arith.constant 0 : i32
    %dma_wait3A_72 = tpu.memref_slice %arg3[%dma_wait3A_63, %add3A, %dma_wait3A_64, %dma_wait3A_70, %dma_wait3A_71] : memref<2x32x25x5x80xi32, #tpu.memory_space<hbm>> -> memref<1x1x1x5x80xi32, #tpu.memory_space<hbm>>
    %dma_wait3A_73 = tpu.memref_squeeze %dma_wait3A_72 : memref<1x1x1x5x80xi32, #tpu.memory_space<hbm>> -> memref<5x80xi32, #tpu.memory_space<hbm>>
    %dma_wait3A_74 = arith.constant 0 : i32
    %dma_wait3A_75 = arith.constant 0 : i32
    %dma_wait3A_76 = tpu.memref_slice %arg7[%dma_wait3A_65, %dma_wait3A_74, %dma_wait3A_75] : memref<2x5x80xi32, #tpu.memory_space<vmem>> -> memref<1x5x80xi32, #tpu.memory_space<vmem>>
    %dma_wait3A_77 = tpu.memref_squeeze %dma_wait3A_76 : memref<1x5x80xi32, #tpu.memory_space<vmem>> -> memref<5x80xi32, #tpu.memory_space<vmem>>
    %dma_wait3A_78 = arith.constant 0 : i32
    %dma_wait3A_79 = arith.constant 0 : i32
    %dma_wait3A_80 = tpu.memref_slice %arg3[%dma_wait3A_63, %add3A, %dma_wait3A_64, %dma_wait3A_78, %dma_wait3A_79] : memref<2x32x25x5x80xi32, #tpu.memory_space<hbm>> -> memref<1x1x1x5x80xi32, #tpu.memory_space<hbm>>
    %dma_wait3A_81 = tpu.memref_squeeze %dma_wait3A_80 : memref<1x1x1x5x80xi32, #tpu.memory_space<hbm>> -> memref<5x80xi32, #tpu.memory_space<hbm>>
    tpu.wait_dma2 semaphore(%arg11 : memref<!tpu.dma_semaphore, #tpu.memory_space<semaphore_mem>>) src(%dma_wait3A_81 : memref<5x80xi32, #tpu.memory_space<hbm>>) dst(%dma_wait3A_77 : memref<5x80xi32, #tpu.memory_space<vmem>>)
    %dma_start3A_82 = arith.constant 0 : i32
    %dma_start3A_83 = arith.constant 0 : i32
    %dma_start3A_84 = arith.constant 0 : i32
    %dma_start3A_85 = arith.constant 0 : i32
    %dma_start3A_86 = arith.constant 0 : i32
    %dma_start3A_87 = arith.constant 0 : i32
    %dma_start3A_88 = tpu.memref_slice %arg8[%dma_start3A_84, %dma_start3A_86, %dma_start3A_87] : memref<4x80x128xf32, #tpu.memory_space<vmem>> -> memref<1x80x128xf32, #tpu.memory_space<vmem>>
    %dma_start3A_89 = tpu.memref_squeeze %dma_start3A_88 : memref<1x80x128xf32, #tpu.memory_space<vmem>> -> memref<80x128xf32, #tpu.memory_space<vmem>>
    %dma_start3A_90 = arith.constant 0 : i32
    %dma_start3A_91 = tpu.memref_slice %arg6[%dma_start3A_82, %dma_start3A_83, %dma_start3A_90] : memref<2x5x80xi32, #tpu.memory_space<vmem>> -> memref<1x1x80xi32, #tpu.memory_space<vmem>>
    %dma_start3A_92 = tpu.memref_squeeze %dma_start3A_91 : memref<1x1x80xi32, #tpu.memory_space<vmem>> -> memref<80xi32, #tpu.memory_space<vmem>>
    %dma_start3A_93 = arith.constant 0 : i32
    %dma_start3A_94 = arith.constant 0 : i32
    %dma_start3A_95 = tpu.memref_slice %arg2[%dma_start3A_93, %dma_start3A_94] : memref<10000x128xf32, #tpu.memory_space<hbm>> -> memref<10000x128xf32, #tpu.memory_space<hbm>>
    %dma_start3A_96 = tpu.memref_slice %arg9[%dma_start3A_85] : memref<4x!tpu.dma_semaphore, #tpu.memory_space<semaphore_mem>> -> memref<1x!tpu.dma_semaphore, #tpu.memory_space<semaphore_mem>>
    %dma_start3A_97 = tpu.memref_squeeze %dma_start3A_96 : memref<1x!tpu.dma_semaphore, #tpu.memory_space<semaphore_mem>> -> memref<!tpu.dma_semaphore, #tpu.memory_space<semaphore_mem>>
    tpu.enqueue_indirect_dma source(%dma_start3A_95 : memref<10000x128xf32, #tpu.memory_space<hbm>>) target(%dma_start3A_89 : memref<80x128xf32, #tpu.memory_space<vmem>>) offsets(%dma_start3A_92 : memref<80xi32, #tpu.memory_space<vmem>>) semaphore(%dma_start3A_97 : memref<!tpu.dma_semaphore, #tpu.memory_space<semaphore_mem>>)
    %dma_start3A_98 = arith.constant 0 : i32
    %dma_start3A_99 = arith.constant 1 : i32
    %dma_start3A_100 = arith.constant 1 : i32
    %dma_start3A_101 = arith.constant 1 : i32
    %dma_start3A_102 = arith.constant 0 : i32
    %dma_start3A_103 = arith.constant 0 : i32
    %dma_start3A_104 = tpu.memref_slice %arg8[%dma_start3A_100, %dma_start3A_102, %dma_start3A_103] : memref<4x80x128xf32, #tpu.memory_space<vmem>> -> memref<1x80x128xf32, #tpu.memory_space<vmem>>
    %dma_start3A_105 = tpu.memref_squeeze %dma_start3A_104 : memref<1x80x128xf32, #tpu.memory_space<vmem>> -> memref<80x128xf32, #tpu.memory_space<vmem>>
    %dma_start3A_106 = arith.constant 0 : i32
    %dma_start3A_107 = tpu.memref_slice %arg6[%dma_start3A_98, %dma_start3A_99, %dma_start3A_106] : memref<2x5x80xi32, #tpu.memory_space<vmem>> -> memref<1x1x80xi32, #tpu.memory_space<vmem>>
    %dma_start3A_108 = tpu.memref_squeeze %dma_start3A_107 : memref<1x1x80xi32, #tpu.memory_space<vmem>> -> memref<80xi32, #tpu.memory_space<vmem>>
    %dma_start3A_109 = arith.constant 0 : i32
    %dma_start3A_110 = arith.constant 0 : i32
    %dma_start3A_111 = tpu.memref_slice %arg2[%dma_start3A_109, %dma_start3A_110] : memref<10000x128xf32, #tpu.memory_space<hbm>> -> memref<10000x128xf32, #tpu.memory_space<hbm>>
    %dma_start3A_112 = tpu.memref_slice %arg9[%dma_start3A_101] : memref<4x!tpu.dma_semaphore, #tpu.memory_space<semaphore_mem>> -> memref<1x!tpu.dma_semaphore, #tpu.memory_space<semaphore_mem>>
    %dma_start3A_113 = tpu.memref_squeeze %dma_start3A_112 : memref<1x!tpu.dma_semaphore, #tpu.memory_space<semaphore_mem>> -> memref<!tpu.dma_semaphore, #tpu.memory_space<semaphore_mem>>
    tpu.enqueue_indirect_dma source(%dma_start3A_111 : memref<10000x128xf32, #tpu.memory_space<hbm>>) target(%dma_start3A_105 : memref<80x128xf32, #tpu.memory_space<vmem>>) offsets(%dma_start3A_108 : memref<80xi32, #tpu.memory_space<vmem>>) semaphore(%dma_start3A_113 : memref<!tpu.dma_semaphore, #tpu.memory_space<semaphore_mem>>)
    %dma_start3A_114 = arith.constant 0 : i32
    %dma_start3A_115 = arith.constant 2 : i32
    %dma_start3A_116 = arith.constant 2 : i32
    %dma_start3A_117 = arith.constant 2 : i32
    %dma_start3A_118 = arith.constant 0 : i32
    %dma_start3A_119 = arith.constant 0 : i32
    %dma_start3A_120 = tpu.memref_slice %arg8[%dma_start3A_116, %dma_start3A_118, %dma_start3A_119] : memref<4x80x128xf32, #tpu.memory_space<vmem>> -> memref<1x80x128xf32, #tpu.memory_space<vmem>>
    %dma_start3A_121 = tpu.memref_squeeze %dma_start3A_120 : memref<1x80x128xf32, #tpu.memory_space<vmem>> -> memref<80x128xf32, #tpu.memory_space<vmem>>
    %dma_start3A_122 = arith.constant 0 : i32
    %dma_start3A_123 = tpu.memref_slice %arg6[%dma_start3A_114, %dma_start3A_115, %dma_start3A_122] : memref<2x5x80xi32, #tpu.memory_space<vmem>> -> memref<1x1x80xi32, #tpu.memory_space<vmem>>
    %dma_start3A_124 = tpu.memref_squeeze %dma_start3A_123 : memref<1x1x80xi32, #tpu.memory_space<vmem>> -> memref<80xi32, #tpu.memory_space<vmem>>
    %dma_start3A_125 = arith.constant 0 : i32
    %dma_start3A_126 = arith.constant 0 : i32
    %dma_start3A_127 = tpu.memref_slice %arg2[%dma_start3A_125, %dma_start3A_126] : memref<10000x128xf32, #tpu.memory_space<hbm>> -> memref<10000x128xf32, #tpu.memory_space<hbm>>
    %dma_start3A_128 = tpu.memref_slice %arg9[%dma_start3A_117] : memref<4x!tpu.dma_semaphore, #tpu.memory_space<semaphore_mem>> -> memref<1x!tpu.dma_semaphore, #tpu.memory_space<semaphore_mem>>
    %dma_start3A_129 = tpu.memref_squeeze %dma_start3A_128 : memref<1x!tpu.dma_semaphore, #tpu.memory_space<semaphore_mem>> -> memref<!tpu.dma_semaphore, #tpu.memory_space<semaphore_mem>>
    tpu.enqueue_indirect_dma source(%dma_start3A_127 : memref<10000x128xf32, #tpu.memory_space<hbm>>) target(%dma_start3A_121 : memref<80x128xf32, #tpu.memory_space<vmem>>) offsets(%dma_start3A_124 : memref<80xi32, #tpu.memory_space<vmem>>) semaphore(%dma_start3A_129 : memref<!tpu.dma_semaphore, #tpu.memory_space<semaphore_mem>>)
    %scan3A_130 = arith.constant 3 : i32
    %scan3A_131 = arith.constant 0 : i32
    %scan3A_132 = arith.constant 0 : i32
    %scan3A_133 = arith.constant 8 : i32
    %scan3A_134 = arith.addi %scan3A_132, %scan3A_133 : i32
    %scan3A_135 = arith.constant 1 : i32
    %scan3A_136 = scf.for %scan3A_213 = %scan3A_132 to %scan3A_134 step %scan3A_135 iter_args(%scan3A_214 = %scan3A_131) -> (i32)  : i32 {
      %mul3A_215 = arith.constant 16 : i32
      %mul3A_216 = arith.muli %scan3A_213, %mul3A_215 : i32
      %add3A_217 = arith.addi %mul3A_216, %arg1 : i32
      %lt3A = arith.constant 125 : i32
      %lt3A_218 = arith.cmpi slt, %add3A_217, %lt3A : i32
      %convert_element_type3A = arith.extui %lt3A_218 : i1 to i32
      %cond3A = arith.constant 0 : i32
      %cond3A_219 = arith.cmpi ne, %convert_element_type3A, %cond3A : i32
      scf.if %cond3A_219 {
        %mul3A_221 = arith.constant 80 : i32
        %mul3A_222 = arith.muli %add3A_217, %mul3A_221 : i32
        "tpu.region"() ({
          %run_scoped3A = tpu.sem_alloc : memref<!tpu.dma_semaphore, #tpu.memory_space<semaphore_mem>>
          %dma_start3A_223 = arith.constant 0 : i32
          %dma_start3A_224 = arith.constant 0 : i32
          %dma_start3A_225 = tpu.memref_slice %arg8[%scan3A_130, %dma_start3A_223, %dma_start3A_224] : memref<4x80x128xf32, #tpu.memory_space<vmem>> -> memref<1x80x128xf32, #tpu.memory_space<vmem>>
          %dma_start3A_226 = tpu.memref_squeeze %dma_start3A_225 : memref<1x80x128xf32, #tpu.memory_space<vmem>> -> memref<80x128xf32, #tpu.memory_space<vmem>>
          %dma_start3A_227 = arith.constant 0 : i32
          %dma_start3A_228 = tpu.memref_slice %arg5[%mul3A_222, %dma_start3A_227] : memref<10000x128xf32, #tpu.memory_space<vmem_shared>> -> memref<80x128xf32, #tpu.memory_space<vmem_shared>>
          %dma_start3A_229 = arith.constant 0 : i32
          %dma_start3A_230 = tpu.memref_slice %arg5[%mul3A_222, %dma_start3A_229] : memref<10000x128xf32, #tpu.memory_space<vmem_shared>> -> memref<80x128xf32, #tpu.memory_space<vmem_shared>>
          %dma_start3A_231 = arith.constant 0 : i32
          %dma_start3A_232 = arith.constant 0 : i32
          %dma_start3A_233 = tpu.memref_slice %arg8[%scan3A_130, %dma_start3A_231, %dma_start3A_232] : memref<4x80x128xf32, #tpu.memory_space<vmem>> -> memref<1x80x128xf32, #tpu.memory_space<vmem>>
          %dma_start3A_234 = tpu.memref_squeeze %dma_start3A_233 : memref<1x80x128xf32, #tpu.memory_space<vmem>> -> memref<80x128xf32, #tpu.memory_space<vmem>>
          tpu.enqueue_dma source(%dma_start3A_234 : memref<80x128xf32, #tpu.memory_space<vmem>>) target(%dma_start3A_230 : memref<80x128xf32, #tpu.memory_space<vmem_shared>>) target_semaphore(%run_scoped3A : memref<!tpu.dma_semaphore, #tpu.memory_space<semaphore_mem>>)
          %dma_wait3A_235 = arith.constant 0 : i32
          %dma_wait3A_236 = arith.constant 0 : i32
          %dma_wait3A_237 = tpu.memref_slice %arg8[%scan3A_130, %dma_wait3A_235, %dma_wait3A_236] : memref<4x80x128xf32, #tpu.memory_space<vmem>> -> memref<1x80x128xf32, #tpu.memory_space<vmem>>
          %dma_wait3A_238 = tpu.memref_squeeze %dma_wait3A_237 : memref<1x80x128xf32, #tpu.memory_space<vmem>> -> memref<80x128xf32, #tpu.memory_space<vmem>>
          %dma_wait3A_239 = arith.constant 0 : i32
          %dma_wait3A_240 = tpu.memref_slice %arg5[%mul3A_222, %dma_wait3A_239] : memref<10000x128xf32, #tpu.memory_space<vmem_shared>> -> memref<80x128xf32, #tpu.memory_space<vmem_shared>>
          %dma_wait3A_241 = arith.constant 0 : i32
          %dma_wait3A_242 = tpu.memref_slice %arg5[%mul3A_222, %dma_wait3A_241] : memref<10000x128xf32, #tpu.memory_space<vmem_shared>> -> memref<80x128xf32, #tpu.memory_space<vmem_shared>>
          %dma_wait3A_243 = arith.constant 0 : i32
          %dma_wait3A_244 = arith.constant 0 : i32
          %dma_wait3A_245 = tpu.memref_slice %arg8[%scan3A_130, %dma_wait3A_243, %dma_wait3A_244] : memref<4x80x128xf32, #tpu.memory_space<vmem>> -> memref<1x80x128xf32, #tpu.memory_space<vmem>>
          %dma_wait3A_246 = tpu.memref_squeeze %dma_wait3A_245 : memref<1x80x128xf32, #tpu.memory_space<vmem>> -> memref<80x128xf32, #tpu.memory_space<vmem>>
          tpu.wait_dma2 semaphore(%run_scoped3A : memref<!tpu.dma_semaphore, #tpu.memory_space<semaphore_mem>>) src(%dma_wait3A_246 : memref<80x128xf32, #tpu.memory_space<vmem>>) dst(%dma_wait3A_242 : memref<80x128xf32, #tpu.memory_space<vmem_shared>>)
          tpu.yield
        }) : () -> ()
      } else {
      }
      %scan3A_220 = arith.constant 0 : i32
      scf.yield %scan3A_220 : i32
    }
    %scan3A_137 = arith.constant 8 : i32
    %barrier3A = arith.constant 0 : index
    tpu.barrier barrier_id(%barrier3A)
    %scan3A_138 = arith.constant 0 : i32
    %scan3A_139 = arith.constant 0 : i32
    %scan3A_140 = arith.constant 125 : i32
    %scan3A_141 = arith.addi %scan3A_139, %scan3A_140 : i32
    %scan3A_142 = arith.constant 1 : i32
    %scan3A_143 = scf.for %scan3A_213 = %scan3A_139 to %scan3A_141 step %scan3A_142 iter_args(%scan3A_214 = %scan3A_138) -> (i32)  : i32 {
      %jit3A = arith.constant 4 : i32
      %eq3A = arith.constant 0 : i32
      %eq3A_215 = arith.cmpi eq, %jit3A, %eq3A : i32
      %jit3A_216 = arith.constant 1 : i32
      %select_n3A = arith.select %eq3A_215, %jit3A_216, %jit3A : i32
      %rem3A = arith.remsi %scan3A_213, %select_n3A : i32
      %ne3A = arith.constant 0 : i32
      %ne3A_217 = arith.cmpi ne, %rem3A, %ne3A : i32
      %lt3A = arith.constant 0 : i32
      %lt3A_218 = arith.cmpi slt, %rem3A, %lt3A : i32
      %lt3A_219 = arith.constant 0 : i32
      %lt3A_220 = arith.cmpi slt, %select_n3A, %lt3A_219 : i32
      %ne3A_221 = arith.xori %lt3A_218, %lt3A_220 : i1
      %and3A = arith.andi %ne3A_221, %ne3A_217 : i1
      %add3A_222 = arith.addi %rem3A, %select_n3A : i32
      %select_n3A_223 = arith.select %and3A, %add3A_222, %rem3A : i32
      %jit3A_224 = arith.constant 5 : i32
      %div3A = arith.divsi %scan3A_213, %jit3A_224 : i32
      %sign3A = arith.constant 0 : i32
      %sign3A_225 = arith.cmpi sgt, %scan3A_213, %sign3A : i32
      %sign3A_226 = arith.extui %sign3A_225 : i1 to i32
      %sign3A_227 = arith.constant 0 : i32
      %sign3A_228 = arith.cmpi slt, %scan3A_213, %sign3A_227 : i32
      %sign3A_229 = arith.extui %sign3A_228 : i1 to i32
      %sign3A_230 = arith.subi %sign3A_226, %sign3A_229 : i32
      %sign3A_231 = arith.constant 0 : i32
      %sign3A_232 = arith.cmpi sgt, %jit3A_224, %sign3A_231 : i32
      %sign3A_233 = arith.extui %sign3A_232 : i1 to i32
      %sign3A_234 = arith.constant 0 : i32
      %sign3A_235 = arith.cmpi slt, %jit3A_224, %sign3A_234 : i32
      %sign3A_236 = arith.extui %sign3A_235 : i1 to i32
      %sign3A_237 = arith.subi %sign3A_233, %sign3A_236 : i32
      %ne3A_238 = arith.cmpi ne, %sign3A_230, %sign3A_237 : i32
      %rem3A_239 = arith.remsi %scan3A_213, %jit3A_224 : i32
      %ne3A_240 = arith.constant 0 : i32
      %ne3A_241 = arith.cmpi ne, %rem3A_239, %ne3A_240 : i32
      %and3A_242 = arith.andi %ne3A_238, %ne3A_241 : i1
      %sub3A = arith.constant 1 : i32
      %sub3A_243 = arith.subi %div3A, %sub3A : i32
      %select_n3A_244 = arith.select %and3A_242, %sub3A_243, %div3A : i32
      %jit3A_245 = arith.constant 5 : i32
      %eq3A_246 = arith.constant 0 : i32
      %eq3A_247 = arith.cmpi eq, %jit3A_245, %eq3A_246 : i32
      %jit3A_248 = arith.constant 1 : i32
      %select_n3A_249 = arith.select %eq3A_247, %jit3A_248, %jit3A_245 : i32
      %rem3A_250 = arith.remsi %scan3A_213, %select_n3A_249 : i32
      %ne3A_251 = arith.constant 0 : i32
      %ne3A_252 = arith.cmpi ne, %rem3A_250, %ne3A_251 : i32
      %lt3A_253 = arith.constant 0 : i32
      %lt3A_254 = arith.cmpi slt, %rem3A_250, %lt3A_253 : i32
      %lt3A_255 = arith.constant 0 : i32
      %lt3A_256 = arith.cmpi slt, %select_n3A_249, %lt3A_255 : i32
      %ne3A_257 = arith.xori %lt3A_254, %lt3A_256 : i1
      %and3A_258 = arith.andi %ne3A_257, %ne3A_252 : i1
      %add3A_259 = arith.addi %rem3A_250, %select_n3A_249 : i32
      %select_n3A_260 = arith.select %and3A_258, %add3A_259, %rem3A_250 : i32
      %dma_wait3A_261 = arith.constant 0 : i32
      %dma_wait3A_262 = arith.constant 0 : i32
      %dma_wait3A_263 = tpu.memref_slice %arg8[%select_n3A_223, %dma_wait3A_261, %dma_wait3A_262] : memref<4x80x128xf32, #tpu.memory_space<vmem>> -> memref<1x80x128xf32, #tpu.memory_space<vmem>>
      %dma_wait3A_264 = tpu.memref_squeeze %dma_wait3A_263 : memref<1x80x128xf32, #tpu.memory_space<vmem>> -> memref<80x128xf32, #tpu.memory_space<vmem>>
      %dma_wait3A_265 = arith.constant 0 : i32
      %dma_wait3A_266 = arith.constant 0 : i32
      %dma_wait3A_267 = tpu.memref_slice %arg2[%dma_wait3A_265, %dma_wait3A_266] : memref<10000x128xf32, #tpu.memory_space<hbm>> -> memref<80x128xf32, #tpu.memory_space<hbm>>
      %dma_wait3A_268 = tpu.memref_slice %arg9[%select_n3A_223] : memref<4x!tpu.dma_semaphore, #tpu.memory_space<semaphore_mem>> -> memref<1x!tpu.dma_semaphore, #tpu.memory_space<semaphore_mem>>
      %dma_wait3A_269 = tpu.memref_squeeze %dma_wait3A_268 : memref<1x!tpu.dma_semaphore, #tpu.memory_space<semaphore_mem>> -> memref<!tpu.dma_semaphore, #tpu.memory_space<semaphore_mem>>
      %dma_wait3A_270 = arith.constant 0 : i32
      %dma_wait3A_271 = arith.constant 0 : i32
      %dma_wait3A_272 = tpu.memref_slice %arg8[%select_n3A_223, %dma_wait3A_270, %dma_wait3A_271] : memref<4x80x128xf32, #tpu.memory_space<vmem>> -> memref<1x80x128xf32, #tpu.memory_space<vmem>>
      %dma_wait3A_273 = tpu.memref_squeeze %dma_wait3A_272 : memref<1x80x128xf32, #tpu.memory_space<vmem>> -> memref<80x128xf32, #tpu.memory_space<vmem>>
      %dma_wait3A_274 = arith.constant 0 : i32
      %dma_wait3A_275 = arith.constant 0 : i32
      %dma_wait3A_276 = tpu.memref_slice %arg2[%dma_wait3A_274, %dma_wait3A_275] : memref<10000x128xf32, #tpu.memory_space<hbm>> -> memref<80x128xf32, #tpu.memory_space<hbm>>
      tpu.wait_dma2 semaphore(%dma_wait3A_269 : memref<!tpu.dma_semaphore, #tpu.memory_space<semaphore_mem>>) src(%dma_wait3A_276 : memref<80x128xf32, #tpu.memory_space<hbm>>) dst(%dma_wait3A_273 : memref<80x128xf32, #tpu.memory_space<vmem>>)
      %ge3A = arith.constant 1 : i32
      %ge3A_277 = arith.cmpi sge, %scan3A_213, %ge3A : i32
      %convert_element_type3A = arith.extui %ge3A_277 : i1 to i32
      %cond3A = arith.constant 0 : i32
      %cond3A_278 = arith.cmpi ne, %convert_element_type3A, %cond3A : i32
      scf.if %cond3A_278 {
        %add3A_375 = arith.constant 3 : i32
        %add3A_376 = arith.addi %scan3A_213, %add3A_375 : i32
        %jit3A_377 = arith.constant 4 : i32
        %eq3A_378 = arith.constant 0 : i32
        %eq3A_379 = arith.cmpi eq, %jit3A_377, %eq3A_378 : i32
        %jit3A_380 = arith.constant 1 : i32
        %select_n3A_381 = arith.select %eq3A_379, %jit3A_380, %jit3A_377 : i32
        %rem3A_382 = arith.remsi %add3A_376, %select_n3A_381 : i32
        %ne3A_383 = arith.constant 0 : i32
        %ne3A_384 = arith.cmpi ne, %rem3A_382, %ne3A_383 : i32
        %lt3A_385 = arith.constant 0 : i32
        %lt3A_386 = arith.cmpi slt, %rem3A_382, %lt3A_385 : i32
        %lt3A_387 = arith.constant 0 : i32
        %lt3A_388 = arith.cmpi slt, %select_n3A_381, %lt3A_387 : i32
        %ne3A_389 = arith.xori %lt3A_386, %lt3A_388 : i1
        %and3A_390 = arith.andi %ne3A_389, %ne3A_384 : i1
        %add3A_391 = arith.addi %rem3A_382, %select_n3A_381 : i32
        %select_n3A_392 = arith.select %and3A_390, %add3A_391, %rem3A_382 : i32
        %dma_wait3A_393 = arith.constant 0 : i32
        %dma_wait3A_394 = arith.constant 0 : i32
        %dma_wait3A_395 = tpu.memref_slice %arg8[%select_n3A_392, %dma_wait3A_393, %dma_wait3A_394] : memref<4x80x128xf32, #tpu.memory_space<vmem>> -> memref<1x80x128xf32, #tpu.memory_space<vmem>>
        %dma_wait3A_396 = tpu.memref_squeeze %dma_wait3A_395 : memref<1x80x128xf32, #tpu.memory_space<vmem>> -> memref<80x128xf32, #tpu.memory_space<vmem>>
        %dma_wait3A_397 = arith.constant 0 : i32
        %dma_wait3A_398 = arith.constant 0 : i32
        %dma_wait3A_399 = tpu.memref_slice %arg2[%dma_wait3A_397, %dma_wait3A_398] : memref<10000x128xf32, #tpu.memory_space<hbm>> -> memref<80x128xf32, #tpu.memory_space<hbm>>
        %dma_wait3A_400 = tpu.memref_slice %arg10[%select_n3A_392] : memref<4x!tpu.dma_semaphore, #tpu.memory_space<semaphore_mem>> -> memref<1x!tpu.dma_semaphore, #tpu.memory_space<semaphore_mem>>
        %dma_wait3A_401 = tpu.memref_squeeze %dma_wait3A_400 : memref<1x!tpu.dma_semaphore, #tpu.memory_space<semaphore_mem>> -> memref<!tpu.dma_semaphore, #tpu.memory_space<semaphore_mem>>
        %dma_wait3A_402 = arith.constant 0 : i32
        %dma_wait3A_403 = arith.constant 0 : i32
        %dma_wait3A_404 = tpu.memref_slice %arg8[%select_n3A_392, %dma_wait3A_402, %dma_wait3A_403] : memref<4x80x128xf32, #tpu.memory_space<vmem>> -> memref<1x80x128xf32, #tpu.memory_space<vmem>>
        %dma_wait3A_405 = tpu.memref_squeeze %dma_wait3A_404 : memref<1x80x128xf32, #tpu.memory_space<vmem>> -> memref<80x128xf32, #tpu.memory_space<vmem>>
        %dma_wait3A_406 = arith.constant 0 : i32
        %dma_wait3A_407 = arith.constant 0 : i32
        %dma_wait3A_408 = tpu.memref_slice %arg2[%dma_wait3A_406, %dma_wait3A_407] : memref<10000x128xf32, #tpu.memory_space<hbm>> -> memref<80x128xf32, #tpu.memory_space<hbm>>
        tpu.wait_dma2 semaphore(%dma_wait3A_401 : memref<!tpu.dma_semaphore, #tpu.memory_space<semaphore_mem>>) src(%dma_wait3A_408 : memref<80x128xf32, #tpu.memory_space<hbm>>) dst(%dma_wait3A_405 : memref<80x128xf32, #tpu.memory_space<vmem>>)
      } else {
      }
      %eq3A_279 = arith.constant 0 : i32
      %eq3A_280 = arith.cmpi eq, %select_n3A_260, %eq3A_279 : i32
      %add3A_281 = arith.constant 1 : i32
      %add3A_282 = arith.addi %select_n3A_244, %add3A_281 : i32
      %lt3A_283 = arith.constant 25 : i32
      %lt3A_284 = arith.cmpi slt, %add3A_282, %lt3A_283 : i32
      %and3A_285 = arith.andi %eq3A_280, %lt3A_284 : i1
      %convert_element_type3A_286 = arith.extui %and3A_285 : i1 to i32
      %cond3A_287 = arith.constant 0 : i32
      %cond3A_288 = arith.cmpi ne, %convert_element_type3A_286, %cond3A_287 : i32
      scf.if %cond3A_288 {
        %add3A_375 = arith.constant 1 : i32
        %add3A_376 = arith.addi %select_n3A_244, %add3A_375 : i32
        %jit3A_377 = arith.constant 2 : i32
        %eq3A_378 = arith.constant 0 : i32
        %eq3A_379 = arith.cmpi eq, %jit3A_377, %eq3A_378 : i32
        %jit3A_380 = arith.constant 1 : i32
        %select_n3A_381 = arith.select %eq3A_379, %jit3A_380, %jit3A_377 : i32
        %rem3A_382 = arith.remsi %add3A_376, %select_n3A_381 : i32
        %ne3A_383 = arith.constant 0 : i32
        %ne3A_384 = arith.cmpi ne, %rem3A_382, %ne3A_383 : i32
        %lt3A_385 = arith.constant 0 : i32
        %lt3A_386 = arith.cmpi slt, %rem3A_382, %lt3A_385 : i32
        %lt3A_387 = arith.constant 0 : i32
        %lt3A_388 = arith.cmpi slt, %select_n3A_381, %lt3A_387 : i32
        %ne3A_389 = arith.xori %lt3A_386, %lt3A_388 : i1
        %and3A_390 = arith.andi %ne3A_389, %ne3A_384 : i1
        %add3A_391 = arith.addi %rem3A_382, %select_n3A_381 : i32
        %select_n3A_392 = arith.select %and3A_390, %add3A_391, %rem3A_382 : i32
        %dma_start3A_393 = arith.constant 0 : i32
        %dma_start3A_394 = arith.constant 0 : i32
        %dma_start3A_395 = arith.constant 0 : i32
        %dma_start3A_396 = tpu.memref_slice %arg6[%select_n3A_392, %dma_start3A_394, %dma_start3A_395] : memref<2x5x80xi32, #tpu.memory_space<vmem>> -> memref<1x5x80xi32, #tpu.memory_space<vmem>>
        %dma_start3A_397 = tpu.memref_squeeze %dma_start3A_396 : memref<1x5x80xi32, #tpu.memory_space<vmem>> -> memref<5x80xi32, #tpu.memory_space<vmem>>
        %dma_start3A_398 = arith.constant 0 : i32
        %dma_start3A_399 = arith.constant 0 : i32
        %dma_start3A_400 = tpu.memref_slice %arg3[%dma_start3A_393, %add3A, %add3A_376, %dma_start3A_398, %dma_start3A_399] : memref<2x32x25x5x80xi32, #tpu.memory_space<hbm>> -> memref<1x1x1x5x80xi32, #tpu.memory_space<hbm>>
        %dma_start3A_401 = tpu.memref_squeeze %dma_start3A_400 : memref<1x1x1x5x80xi32, #tpu.memory_space<hbm>> -> memref<5x80xi32, #tpu.memory_space<hbm>>
        %dma_start3A_402 = arith.constant 0 : i32
        %dma_start3A_403 = arith.constant 0 : i32
        %dma_start3A_404 = tpu.memref_slice %arg6[%select_n3A_392, %dma_start3A_402, %dma_start3A_403] : memref<2x5x80xi32, #tpu.memory_space<vmem>> -> memref<1x5x80xi32, #tpu.memory_space<vmem>>
        %dma_start3A_405 = tpu.memref_squeeze %dma_start3A_404 : memref<1x5x80xi32, #tpu.memory_space<vmem>> -> memref<5x80xi32, #tpu.memory_space<vmem>>
        %dma_start3A_406 = arith.constant 0 : i32
        %dma_start3A_407 = arith.constant 0 : i32
        %dma_start3A_408 = tpu.memref_slice %arg3[%dma_start3A_393, %add3A, %add3A_376, %dma_start3A_406, %dma_start3A_407] : memref<2x32x25x5x80xi32, #tpu.memory_space<hbm>> -> memref<1x1x1x5x80xi32, #tpu.memory_space<hbm>>
        %dma_start3A_409 = tpu.memref_squeeze %dma_start3A_408 : memref<1x1x1x5x80xi32, #tpu.memory_space<hbm>> -> memref<5x80xi32, #tpu.memory_space<hbm>>
        tpu.enqueue_dma source(%dma_start3A_409 : memref<5x80xi32, #tpu.memory_space<hbm>>) target(%dma_start3A_405 : memref<5x80xi32, #tpu.memory_space<vmem>>) target_semaphore(%arg11 : memref<!tpu.dma_semaphore, #tpu.memory_space<semaphore_mem>>)
        %dma_start3A_410 = arith.constant 1 : i32
        %dma_start3A_411 = arith.constant 0 : i32
        %dma_start3A_412 = arith.constant 0 : i32
        %dma_start3A_413 = tpu.memref_slice %arg7[%select_n3A_392, %dma_start3A_411, %dma_start3A_412] : memref<2x5x80xi32, #tpu.memory_space<vmem>> -> memref<1x5x80xi32, #tpu.memory_space<vmem>>
        %dma_start3A_414 = tpu.memref_squeeze %dma_start3A_413 : memref<1x5x80xi32, #tpu.memory_space<vmem>> -> memref<5x80xi32, #tpu.memory_space<vmem>>
        %dma_start3A_415 = arith.constant 0 : i32
        %dma_start3A_416 = arith.constant 0 : i32
        %dma_start3A_417 = tpu.memref_slice %arg3[%dma_start3A_410, %add3A, %add3A_376, %dma_start3A_415, %dma_start3A_416] : memref<2x32x25x5x80xi32, #tpu.memory_space<hbm>> -> memref<1x1x1x5x80xi32, #tpu.memory_space<hbm>>
        %dma_start3A_418 = tpu.memref_squeeze %dma_start3A_417 : memref<1x1x1x5x80xi32, #tpu.memory_space<hbm>> -> memref<5x80xi32, #tpu.memory_space<hbm>>
        %dma_start3A_419 = arith.constant 0 : i32
        %dma_start3A_420 = arith.constant 0 : i32
        %dma_start3A_421 = tpu.memref_slice %arg7[%select_n3A_392, %dma_start3A_419, %dma_start3A_420] : memref<2x5x80xi32, #tpu.memory_space<vmem>> -> memref<1x5x80xi32, #tpu.memory_space<vmem>>
        %dma_start3A_422 = tpu.memref_squeeze %dma_start3A_421 : memref<1x5x80xi32, #tpu.memory_space<vmem>> -> memref<5x80xi32, #tpu.memory_space<vmem>>
        %dma_start3A_423 = arith.constant 0 : i32
        %dma_start3A_424 = arith.constant 0 : i32
        %dma_start3A_425 = tpu.memref_slice %arg3[%dma_start3A_410, %add3A, %add3A_376, %dma_start3A_423, %dma_start3A_424] : memref<2x32x25x5x80xi32, #tpu.memory_space<hbm>> -> memref<1x1x1x5x80xi32, #tpu.memory_space<hbm>>
        %dma_start3A_426 = tpu.memref_squeeze %dma_start3A_425 : memref<1x1x1x5x80xi32, #tpu.memory_space<hbm>> -> memref<5x80xi32, #tpu.memory_space<hbm>>
        tpu.enqueue_dma source(%dma_start3A_426 : memref<5x80xi32, #tpu.memory_space<hbm>>) target(%dma_start3A_422 : memref<5x80xi32, #tpu.memory_space<vmem>>) target_semaphore(%arg11 : memref<!tpu.dma_semaphore, #tpu.memory_space<semaphore_mem>>)
      } else {
      }
      %eq3A_289 = arith.constant 2 : i32
      %eq3A_290 = arith.cmpi eq, %select_n3A_260, %eq3A_289 : i32
      %add3A_291 = arith.constant 1 : i32
      %add3A_292 = arith.addi %select_n3A_244, %add3A_291 : i32
      %lt3A_293 = arith.constant 25 : i32
      %lt3A_294 = arith.cmpi slt, %add3A_292, %lt3A_293 : i32
      %and3A_295 = arith.andi %eq3A_290, %lt3A_294 : i1
      %convert_element_type3A_296 = arith.extui %and3A_295 : i1 to i32
      %cond3A_297 = arith.constant 0 : i32
      %cond3A_298 = arith.cmpi ne, %convert_element_type3A_296, %cond3A_297 : i32
      scf.if %cond3A_298 {
        %dma_wait3A_375 = arith.constant 0 : i32
        %dma_wait3A_376 = arith.constant 0 : i32
        %dma_wait3A_377 = arith.constant 0 : i32
        %dma_wait3A_378 = arith.constant 0 : i32
        %dma_wait3A_379 = arith.constant 0 : i32
        %dma_wait3A_380 = tpu.memref_slice %arg6[%dma_wait3A_377, %dma_wait3A_378, %dma_wait3A_379] : memref<2x5x80xi32, #tpu.memory_space<vmem>> -> memref<1x5x80xi32, #tpu.memory_space<vmem>>
        %dma_wait3A_381 = tpu.memref_squeeze %dma_wait3A_380 : memref<1x5x80xi32, #tpu.memory_space<vmem>> -> memref<5x80xi32, #tpu.memory_space<vmem>>
        %dma_wait3A_382 = arith.constant 0 : i32
        %dma_wait3A_383 = arith.constant 0 : i32
        %dma_wait3A_384 = tpu.memref_slice %arg3[%dma_wait3A_375, %add3A, %dma_wait3A_376, %dma_wait3A_382, %dma_wait3A_383] : memref<2x32x25x5x80xi32, #tpu.memory_space<hbm>> -> memref<1x1x1x5x80xi32, #tpu.memory_space<hbm>>
        %dma_wait3A_385 = tpu.memref_squeeze %dma_wait3A_384 : memref<1x1x1x5x80xi32, #tpu.memory_space<hbm>> -> memref<5x80xi32, #tpu.memory_space<hbm>>
        %dma_wait3A_386 = arith.constant 0 : i32
        %dma_wait3A_387 = arith.constant 0 : i32
        %dma_wait3A_388 = tpu.memref_slice %arg6[%dma_wait3A_377, %dma_wait3A_386, %dma_wait3A_387] : memref<2x5x80xi32, #tpu.memory_space<vmem>> -> memref<1x5x80xi32, #tpu.memory_space<vmem>>
        %dma_wait3A_389 = tpu.memref_squeeze %dma_wait3A_388 : memref<1x5x80xi32, #tpu.memory_space<vmem>> -> memref<5x80xi32, #tpu.memory_space<vmem>>
        %dma_wait3A_390 = arith.constant 0 : i32
        %dma_wait3A_391 = arith.constant 0 : i32
        %dma_wait3A_392 = tpu.memref_slice %arg3[%dma_wait3A_375, %add3A, %dma_wait3A_376, %dma_wait3A_390, %dma_wait3A_391] : memref<2x32x25x5x80xi32, #tpu.memory_space<hbm>> -> memref<1x1x1x5x80xi32, #tpu.memory_space<hbm>>
        %dma_wait3A_393 = tpu.memref_squeeze %dma_wait3A_392 : memref<1x1x1x5x80xi32, #tpu.memory_space<hbm>> -> memref<5x80xi32, #tpu.memory_space<hbm>>
        tpu.wait_dma2 semaphore(%arg11 : memref<!tpu.dma_semaphore, #tpu.memory_space<semaphore_mem>>) src(%dma_wait3A_393 : memref<5x80xi32, #tpu.memory_space<hbm>>) dst(%dma_wait3A_389 : memref<5x80xi32, #tpu.memory_space<vmem>>)
        %dma_wait3A_394 = arith.constant 1 : i32
        %dma_wait3A_395 = arith.constant 0 : i32
        %dma_wait3A_396 = arith.constant 0 : i32
        %dma_wait3A_397 = arith.constant 0 : i32
        %dma_wait3A_398 = arith.constant 0 : i32
        %dma_wait3A_399 = tpu.memref_slice %arg7[%dma_wait3A_396, %dma_wait3A_397, %dma_wait3A_398] : memref<2x5x80xi32, #tpu.memory_space<vmem>> -> memref<1x5x80xi32, #tpu.memory_space<vmem>>
        %dma_wait3A_400 = tpu.memref_squeeze %dma_wait3A_399 : memref<1x5x80xi32, #tpu.memory_space<vmem>> -> memref<5x80xi32, #tpu.memory_space<vmem>>
        %dma_wait3A_401 = arith.constant 0 : i32
        %dma_wait3A_402 = arith.constant 0 : i32
        %dma_wait3A_403 = tpu.memref_slice %arg3[%dma_wait3A_394, %add3A, %dma_wait3A_395, %dma_wait3A_401, %dma_wait3A_402] : memref<2x32x25x5x80xi32, #tpu.memory_space<hbm>> -> memref<1x1x1x5x80xi32, #tpu.memory_space<hbm>>
        %dma_wait3A_404 = tpu.memref_squeeze %dma_wait3A_403 : memref<1x1x1x5x80xi32, #tpu.memory_space<hbm>> -> memref<5x80xi32, #tpu.memory_space<hbm>>
        %dma_wait3A_405 = arith.constant 0 : i32
        %dma_wait3A_406 = arith.constant 0 : i32
        %dma_wait3A_407 = tpu.memref_slice %arg7[%dma_wait3A_396, %dma_wait3A_405, %dma_wait3A_406] : memref<2x5x80xi32, #tpu.memory_space<vmem>> -> memref<1x5x80xi32, #tpu.memory_space<vmem>>
        %dma_wait3A_408 = tpu.memref_squeeze %dma_wait3A_407 : memref<1x5x80xi32, #tpu.memory_space<vmem>> -> memref<5x80xi32, #tpu.memory_space<vmem>>
        %dma_wait3A_409 = arith.constant 0 : i32
        %dma_wait3A_410 = arith.constant 0 : i32
        %dma_wait3A_411 = tpu.memref_slice %arg3[%dma_wait3A_394, %add3A, %dma_wait3A_395, %dma_wait3A_409, %dma_wait3A_410] : memref<2x32x25x5x80xi32, #tpu.memory_space<hbm>> -> memref<1x1x1x5x80xi32, #tpu.memory_space<hbm>>
        %dma_wait3A_412 = tpu.memref_squeeze %dma_wait3A_411 : memref<1x1x1x5x80xi32, #tpu.memory_space<hbm>> -> memref<5x80xi32, #tpu.memory_space<hbm>>
        tpu.wait_dma2 semaphore(%arg11 : memref<!tpu.dma_semaphore, #tpu.memory_space<semaphore_mem>>) src(%dma_wait3A_412 : memref<5x80xi32, #tpu.memory_space<hbm>>) dst(%dma_wait3A_408 : memref<5x80xi32, #tpu.memory_space<vmem>>)
      } else {
      }
      %add3A_299 = arith.constant 3 : i32
      %add3A_300 = arith.addi %scan3A_213, %add3A_299 : i32
      %lt3A_301 = arith.constant 125 : i32
      %lt3A_302 = arith.cmpi slt, %add3A_300, %lt3A_301 : i32
      %convert_element_type3A_303 = arith.extui %lt3A_302 : i1 to i32
      %cond3A_304 = arith.constant 0 : i32
      %cond3A_305 = arith.cmpi ne, %convert_element_type3A_303, %cond3A_304 : i32
      scf.if %cond3A_305 {
        %add3A_375 = arith.constant 3 : i32
        %add3A_376 = arith.addi %scan3A_213, %add3A_375 : i32
        %add3A_377 = arith.constant 3 : i32
        %add3A_378 = arith.addi %scan3A_213, %add3A_377 : i32
        %jit3A_379 = arith.constant 4 : i32
        %eq3A_380 = arith.constant 0 : i32
        %eq3A_381 = arith.cmpi eq, %jit3A_379, %eq3A_380 : i32
        %jit3A_382 = arith.constant 1 : i32
        %select_n3A_383 = arith.select %eq3A_381, %jit3A_382, %jit3A_379 : i32
        %rem3A_384 = arith.remsi %add3A_378, %select_n3A_383 : i32
        %ne3A_385 = arith.constant 0 : i32
        %ne3A_386 = arith.cmpi ne, %rem3A_384, %ne3A_385 : i32
        %lt3A_387 = arith.constant 0 : i32
        %lt3A_388 = arith.cmpi slt, %rem3A_384, %lt3A_387 : i32
        %lt3A_389 = arith.constant 0 : i32
        %lt3A_390 = arith.cmpi slt, %select_n3A_383, %lt3A_389 : i32
        %ne3A_391 = arith.xori %lt3A_388, %lt3A_390 : i1
        %and3A_392 = arith.andi %ne3A_391, %ne3A_386 : i1
        %add3A_393 = arith.addi %rem3A_384, %select_n3A_383 : i32
        %select_n3A_394 = arith.select %and3A_392, %add3A_393, %rem3A_384 : i32
        %jit3A_395 = arith.constant 5 : i32
        %div3A_396 = arith.divsi %add3A_376, %jit3A_395 : i32
        %sign3A_397 = arith.constant 0 : i32
        %sign3A_398 = arith.cmpi sgt, %add3A_376, %sign3A_397 : i32
        %sign3A_399 = arith.extui %sign3A_398 : i1 to i32
        %sign3A_400 = arith.constant 0 : i32
        %sign3A_401 = arith.cmpi slt, %add3A_376, %sign3A_400 : i32
        %sign3A_402 = arith.extui %sign3A_401 : i1 to i32
        %sign3A_403 = arith.subi %sign3A_399, %sign3A_402 : i32
        %sign3A_404 = arith.constant 0 : i32
        %sign3A_405 = arith.cmpi sgt, %jit3A_395, %sign3A_404 : i32
        %sign3A_406 = arith.extui %sign3A_405 : i1 to i32
        %sign3A_407 = arith.constant 0 : i32
        %sign3A_408 = arith.cmpi slt, %jit3A_395, %sign3A_407 : i32
        %sign3A_409 = arith.extui %sign3A_408 : i1 to i32
        %sign3A_410 = arith.subi %sign3A_406, %sign3A_409 : i32
        %ne3A_411 = arith.cmpi ne, %sign3A_403, %sign3A_410 : i32
        %rem3A_412 = arith.remsi %add3A_376, %jit3A_395 : i32
        %ne3A_413 = arith.constant 0 : i32
        %ne3A_414 = arith.cmpi ne, %rem3A_412, %ne3A_413 : i32
        %and3A_415 = arith.andi %ne3A_411, %ne3A_414 : i1
        %sub3A_416 = arith.constant 1 : i32
        %sub3A_417 = arith.subi %div3A_396, %sub3A_416 : i32
        %select_n3A_418 = arith.select %and3A_415, %sub3A_417, %div3A_396 : i32
        %jit3A_419 = arith.constant 2 : i32
        %eq3A_420 = arith.constant 0 : i32
        %eq3A_421 = arith.cmpi eq, %jit3A_419, %eq3A_420 : i32
        %jit3A_422 = arith.constant 1 : i32
        %select_n3A_423 = arith.select %eq3A_421, %jit3A_422, %jit3A_419 : i32
        %rem3A_424 = arith.remsi %select_n3A_418, %select_n3A_423 : i32
        %ne3A_425 = arith.constant 0 : i32
        %ne3A_426 = arith.cmpi ne, %rem3A_424, %ne3A_425 : i32
        %lt3A_427 = arith.constant 0 : i32
        %lt3A_428 = arith.cmpi slt, %rem3A_424, %lt3A_427 : i32
        %lt3A_429 = arith.constant 0 : i32
        %lt3A_430 = arith.cmpi slt, %select_n3A_423, %lt3A_429 : i32
        %ne3A_431 = arith.xori %lt3A_428, %lt3A_430 : i1
        %and3A_432 = arith.andi %ne3A_431, %ne3A_426 : i1
        %add3A_433 = arith.addi %rem3A_424, %select_n3A_423 : i32
        %select_n3A_434 = arith.select %and3A_432, %add3A_433, %rem3A_424 : i32
        %jit3A_435 = arith.constant 5 : i32
        %eq3A_436 = arith.constant 0 : i32
        %eq3A_437 = arith.cmpi eq, %jit3A_435, %eq3A_436 : i32
        %jit3A_438 = arith.constant 1 : i32
        %select_n3A_439 = arith.select %eq3A_437, %jit3A_438, %jit3A_435 : i32
        %rem3A_440 = arith.remsi %add3A_376, %select_n3A_439 : i32
        %ne3A_441 = arith.constant 0 : i32
        %ne3A_442 = arith.cmpi ne, %rem3A_440, %ne3A_441 : i32
        %lt3A_443 = arith.constant 0 : i32
        %lt3A_444 = arith.cmpi slt, %rem3A_440, %lt3A_443 : i32
        %lt3A_445 = arith.constant 0 : i32
        %lt3A_446 = arith.cmpi slt, %select_n3A_439, %lt3A_445 : i32
        %ne3A_447 = arith.xori %lt3A_444, %lt3A_446 : i1
        %and3A_448 = arith.andi %ne3A_447, %ne3A_442 : i1
        %add3A_449 = arith.addi %rem3A_440, %select_n3A_439 : i32
        %select_n3A_450 = arith.select %and3A_448, %add3A_449, %rem3A_440 : i32
        %dma_start3A_451 = arith.constant 0 : i32
        %dma_start3A_452 = arith.constant 0 : i32
        %dma_start3A_453 = tpu.memref_slice %arg8[%select_n3A_394, %dma_start3A_451, %dma_start3A_452] : memref<4x80x128xf32, #tpu.memory_space<vmem>> -> memref<1x80x128xf32, #tpu.memory_space<vmem>>
        %dma_start3A_454 = tpu.memref_squeeze %dma_start3A_453 : memref<1x80x128xf32, #tpu.memory_space<vmem>> -> memref<80x128xf32, #tpu.memory_space<vmem>>
        %dma_start3A_455 = arith.constant 0 : i32
        %dma_start3A_456 = tpu.memref_slice %arg6[%select_n3A_434, %select_n3A_450, %dma_start3A_455] : memref<2x5x80xi32, #tpu.memory_space<vmem>> -> memref<1x1x80xi32, #tpu.memory_space<vmem>>
        %dma_start3A_457 = tpu.memref_squeeze %dma_start3A_456 : memref<1x1x80xi32, #tpu.memory_space<vmem>> -> memref<80xi32, #tpu.memory_space<vmem>>
        %dma_start3A_458 = arith.constant 0 : i32
        %dma_start3A_459 = arith.constant 0 : i32
        %dma_start3A_460 = tpu.memref_slice %arg2[%dma_start3A_458, %dma_start3A_459] : memref<10000x128xf32, #tpu.memory_space<hbm>> -> memref<10000x128xf32, #tpu.memory_space<hbm>>
        %dma_start3A_461 = tpu.memref_slice %arg9[%select_n3A_394] : memref<4x!tpu.dma_semaphore, #tpu.memory_space<semaphore_mem>> -> memref<1x!tpu.dma_semaphore, #tpu.memory_space<semaphore_mem>>
        %dma_start3A_462 = tpu.memref_squeeze %dma_start3A_461 : memref<1x!tpu.dma_semaphore, #tpu.memory_space<semaphore_mem>> -> memref<!tpu.dma_semaphore, #tpu.memory_space<semaphore_mem>>
        tpu.enqueue_indirect_dma source(%dma_start3A_460 : memref<10000x128xf32, #tpu.memory_space<hbm>>) target(%dma_start3A_454 : memref<80x128xf32, #tpu.memory_space<vmem>>) offsets(%dma_start3A_457 : memref<80xi32, #tpu.memory_space<vmem>>) semaphore(%dma_start3A_462 : memref<!tpu.dma_semaphore, #tpu.memory_space<semaphore_mem>>)
      } else {
      }
      %jit3A_306 = arith.constant 5 : i32
      %div3A_307 = arith.divsi %scan3A_213, %jit3A_306 : i32
      %sign3A_308 = arith.constant 0 : i32
      %sign3A_309 = arith.cmpi sgt, %scan3A_213, %sign3A_308 : i32
      %sign3A_310 = arith.extui %sign3A_309 : i1 to i32
      %sign3A_311 = arith.constant 0 : i32
      %sign3A_312 = arith.cmpi slt, %scan3A_213, %sign3A_311 : i32
      %sign3A_313 = arith.extui %sign3A_312 : i1 to i32
      %sign3A_314 = arith.subi %sign3A_310, %sign3A_313 : i32
      %sign3A_315 = arith.constant 0 : i32
      %sign3A_316 = arith.cmpi sgt, %jit3A_306, %sign3A_315 : i32
      %sign3A_317 = arith.extui %sign3A_316 : i1 to i32
      %sign3A_318 = arith.constant 0 : i32
      %sign3A_319 = arith.cmpi slt, %jit3A_306, %sign3A_318 : i32
      %sign3A_320 = arith.extui %sign3A_319 : i1 to i32
      %sign3A_321 = arith.subi %sign3A_317, %sign3A_320 : i32
      %ne3A_322 = arith.cmpi ne, %sign3A_314, %sign3A_321 : i32
      %rem3A_323 = arith.remsi %scan3A_213, %jit3A_306 : i32
      %ne3A_324 = arith.constant 0 : i32
      %ne3A_325 = arith.cmpi ne, %rem3A_323, %ne3A_324 : i32
      %and3A_326 = arith.andi %ne3A_322, %ne3A_325 : i1
      %sub3A_327 = arith.constant 1 : i32
      %sub3A_328 = arith.subi %div3A_307, %sub3A_327 : i32
      %select_n3A_329 = arith.select %and3A_326, %sub3A_328, %div3A_307 : i32
      %jit3A_330 = arith.constant 2 : i32
      %eq3A_331 = arith.constant 0 : i32
      %eq3A_332 = arith.cmpi eq, %jit3A_330, %eq3A_331 : i32
      %jit3A_333 = arith.constant 1 : i32
      %select_n3A_334 = arith.select %eq3A_332, %jit3A_333, %jit3A_330 : i32
      %rem3A_335 = arith.remsi %select_n3A_329, %select_n3A_334 : i32
      %ne3A_336 = arith.constant 0 : i32
      %ne3A_337 = arith.cmpi ne, %rem3A_335, %ne3A_336 : i32
      %lt3A_338 = arith.constant 0 : i32
      %lt3A_339 = arith.cmpi slt, %rem3A_335, %lt3A_338 : i32
      %lt3A_340 = arith.constant 0 : i32
      %lt3A_341 = arith.cmpi slt, %select_n3A_334, %lt3A_340 : i32
      %ne3A_342 = arith.xori %lt3A_339, %lt3A_341 : i1
      %and3A_343 = arith.andi %ne3A_342, %ne3A_337 : i1
      %add3A_344 = arith.addi %rem3A_335, %select_n3A_334 : i32
      %select_n3A_345 = arith.select %and3A_343, %add3A_344, %rem3A_335 : i32
      %jit3A_346 = arith.constant 5 : i32
      %eq3A_347 = arith.constant 0 : i32
      %eq3A_348 = arith.cmpi eq, %jit3A_346, %eq3A_347 : i32
      %jit3A_349 = arith.constant 1 : i32
      %select_n3A_350 = arith.select %eq3A_348, %jit3A_349, %jit3A_346 : i32
      %rem3A_351 = arith.remsi %scan3A_213, %select_n3A_350 : i32
      %ne3A_352 = arith.constant 0 : i32
      %ne3A_353 = arith.cmpi ne, %rem3A_351, %ne3A_352 : i32
      %lt3A_354 = arith.constant 0 : i32
      %lt3A_355 = arith.cmpi slt, %rem3A_351, %lt3A_354 : i32
      %lt3A_356 = arith.constant 0 : i32
      %lt3A_357 = arith.cmpi slt, %select_n3A_350, %lt3A_356 : i32
      %ne3A_358 = arith.xori %lt3A_355, %lt3A_357 : i1
      %and3A_359 = arith.andi %ne3A_358, %ne3A_353 : i1
      %add3A_360 = arith.addi %rem3A_351, %select_n3A_350 : i32
      %select_n3A_361 = arith.select %and3A_359, %add3A_360, %rem3A_351 : i32
      %dma_start3A_362 = arith.constant 0 : i32
      %dma_start3A_363 = arith.constant 0 : i32
      %dma_start3A_364 = tpu.memref_slice %arg8[%select_n3A_223, %dma_start3A_362, %dma_start3A_363] : memref<4x80x128xf32, #tpu.memory_space<vmem>> -> memref<1x80x128xf32, #tpu.memory_space<vmem>>
      %dma_start3A_365 = tpu.memref_squeeze %dma_start3A_364 : memref<1x80x128xf32, #tpu.memory_space<vmem>> -> memref<80x128xf32, #tpu.memory_space<vmem>>
      %dma_start3A_366 = arith.constant 0 : i32
      %dma_start3A_367 = tpu.memref_slice %arg7[%select_n3A_345, %select_n3A_361, %dma_start3A_366] : memref<2x5x80xi32, #tpu.memory_space<vmem>> -> memref<1x1x80xi32, #tpu.memory_space<vmem>>
      %dma_start3A_368 = tpu.memref_squeeze %dma_start3A_367 : memref<1x1x80xi32, #tpu.memory_space<vmem>> -> memref<80xi32, #tpu.memory_space<vmem>>
      %dma_start3A_369 = arith.constant 0 : i32
      %dma_start3A_370 = arith.constant 0 : i32
      %dma_start3A_371 = tpu.memref_slice %arg5[%dma_start3A_369, %dma_start3A_370] : memref<10000x128xf32, #tpu.memory_space<vmem_shared>> -> memref<10000x128xf32, #tpu.memory_space<vmem_shared>>
      %dma_start3A_372 = tpu.memref_slice %arg10[%select_n3A_223] : memref<4x!tpu.dma_semaphore, #tpu.memory_space<semaphore_mem>> -> memref<1x!tpu.dma_semaphore, #tpu.memory_space<semaphore_mem>>
      %dma_start3A_373 = tpu.memref_squeeze %dma_start3A_372 : memref<1x!tpu.dma_semaphore, #tpu.memory_space<semaphore_mem>> -> memref<!tpu.dma_semaphore, #tpu.memory_space<semaphore_mem>>
      tpu.enqueue_indirect_dma source(%dma_start3A_365 : memref<80x128xf32, #tpu.memory_space<vmem>>) target(%dma_start3A_371 : memref<10000x128xf32, #tpu.memory_space<vmem_shared>>) offsets(%dma_start3A_368 : memref<80xi32, #tpu.memory_space<vmem>>) semaphore(%dma_start3A_373 : memref<!tpu.dma_semaphore, #tpu.memory_space<semaphore_mem>>) {add = true}
      %scan3A_374 = arith.constant 0 : i32
      scf.yield %scan3A_374 : i32
    }
    %scan3A_144 = arith.constant 125 : i32
    %dma_wait3A_145 = arith.constant 0 : i32
    %dma_wait3A_146 = arith.constant 0 : i32
    %dma_wait3A_147 = arith.constant 0 : i32
    %dma_wait3A_148 = arith.constant 0 : i32
    %dma_wait3A_149 = tpu.memref_slice %arg8[%dma_wait3A_145, %dma_wait3A_147, %dma_wait3A_148] : memref<4x80x128xf32, #tpu.memory_space<vmem>> -> memref<1x80x128xf32, #tpu.memory_space<vmem>>
    %dma_wait3A_150 = tpu.memref_squeeze %dma_wait3A_149 : memref<1x80x128xf32, #tpu.memory_space<vmem>> -> memref<80x128xf32, #tpu.memory_space<vmem>>
    %dma_wait3A_151 = arith.constant 0 : i32
    %dma_wait3A_152 = arith.constant 0 : i32
    %dma_wait3A_153 = tpu.memref_slice %arg2[%dma_wait3A_151, %dma_wait3A_152] : memref<10000x128xf32, #tpu.memory_space<hbm>> -> memref<80x128xf32, #tpu.memory_space<hbm>>
    %dma_wait3A_154 = tpu.memref_slice %arg10[%dma_wait3A_146] : memref<4x!tpu.dma_semaphore, #tpu.memory_space<semaphore_mem>> -> memref<1x!tpu.dma_semaphore, #tpu.memory_space<semaphore_mem>>
    %dma_wait3A_155 = tpu.memref_squeeze %dma_wait3A_154 : memref<1x!tpu.dma_semaphore, #tpu.memory_space<semaphore_mem>> -> memref<!tpu.dma_semaphore, #tpu.memory_space<semaphore_mem>>
    %dma_wait3A_156 = arith.constant 0 : i32
    %dma_wait3A_157 = arith.constant 0 : i32
    %dma_wait3A_158 = tpu.memref_slice %arg8[%dma_wait3A_145, %dma_wait3A_156, %dma_wait3A_157] : memref<4x80x128xf32, #tpu.memory_space<vmem>> -> memref<1x80x128xf32, #tpu.memory_space<vmem>>
    %dma_wait3A_159 = tpu.memref_squeeze %dma_wait3A_158 : memref<1x80x128xf32, #tpu.memory_space<vmem>> -> memref<80x128xf32, #tpu.memory_space<vmem>>
    %dma_wait3A_160 = arith.constant 0 : i32
    %dma_wait3A_161 = arith.constant 0 : i32
    %dma_wait3A_162 = tpu.memref_slice %arg2[%dma_wait3A_160, %dma_wait3A_161] : memref<10000x128xf32, #tpu.memory_space<hbm>> -> memref<80x128xf32, #tpu.memory_space<hbm>>
    tpu.wait_dma2 semaphore(%dma_wait3A_155 : memref<!tpu.dma_semaphore, #tpu.memory_space<semaphore_mem>>) src(%dma_wait3A_162 : memref<80x128xf32, #tpu.memory_space<hbm>>) dst(%dma_wait3A_159 : memref<80x128xf32, #tpu.memory_space<vmem>>)
    %barrier3A_163 = arith.constant 0 : index
    tpu.barrier barrier_id(%barrier3A_163)
    %scan3A_164 = arith.constant 0 : i32
    %scan3A_165 = arith.constant 0 : i32
    %scan3A_166 = arith.constant 8 : i32
    %scan3A_167 = arith.addi %scan3A_165, %scan3A_166 : i32
    %scan3A_168 = arith.constant 1 : i32
    %scan3A_169 = scf.for %scan3A_213 = %scan3A_165 to %scan3A_167 step %scan3A_168 iter_args(%scan3A_214 = %scan3A_164) -> (i32)  : i32 {
      %mul3A_215 = arith.constant 16 : i32
      %mul3A_216 = arith.muli %scan3A_213, %mul3A_215 : i32
      %add3A_217 = arith.addi %mul3A_216, %arg1 : i32
      %lt3A = arith.constant 125 : i32
      %lt3A_218 = arith.cmpi slt, %add3A_217, %lt3A : i32
      %convert_element_type3A = arith.extui %lt3A_218 : i1 to i32
      %cond3A = arith.constant 0 : i32
      %cond3A_219 = arith.cmpi ne, %convert_element_type3A, %cond3A : i32
      scf.if %cond3A_219 {
        %jit3A = arith.constant 2 : i32
        %eq3A = arith.constant 0 : i32
        %eq3A_221 = arith.cmpi eq, %jit3A, %eq3A : i32
        %jit3A_222 = arith.constant 1 : i32
        %select_n3A = arith.select %eq3A_221, %jit3A_222, %jit3A : i32
        %rem3A = arith.remsi %scan3A_213, %select_n3A : i32
        %ne3A = arith.constant 0 : i32
        %ne3A_223 = arith.cmpi ne, %rem3A, %ne3A : i32
        %lt3A_224 = arith.constant 0 : i32
        %lt3A_225 = arith.cmpi slt, %rem3A, %lt3A_224 : i32
        %lt3A_226 = arith.constant 0 : i32
        %lt3A_227 = arith.cmpi slt, %select_n3A, %lt3A_226 : i32
        %ne3A_228 = arith.xori %lt3A_225, %lt3A_227 : i1
        %and3A = arith.andi %ne3A_228, %ne3A_223 : i1
        %add3A_229 = arith.addi %rem3A, %select_n3A : i32
        %select_n3A_230 = arith.select %and3A, %add3A_229, %rem3A : i32
        %mul3A_231 = arith.constant 80 : i32
        %mul3A_232 = arith.muli %add3A_217, %mul3A_231 : i32
        %ge3A = arith.constant 2 : i32
        %ge3A_233 = arith.cmpi sge, %scan3A_213, %ge3A : i32
        %convert_element_type3A_234 = arith.extui %ge3A_233 : i1 to i32
        %cond3A_235 = arith.constant 0 : i32
        %cond3A_236 = arith.cmpi ne, %convert_element_type3A_234, %cond3A_235 : i32
        scf.if %cond3A_236 {
          %dma_wait3A_281 = arith.constant 0 : i32
          %dma_wait3A_282 = arith.constant 0 : i32
          %dma_wait3A_283 = arith.constant 0 : i32
          %dma_wait3A_284 = tpu.memref_slice %arg8[%select_n3A_230, %dma_wait3A_282, %dma_wait3A_283] : memref<4x80x128xf32, #tpu.memory_space<vmem>> -> memref<1x80x128xf32, #tpu.memory_space<vmem>>
          %dma_wait3A_285 = tpu.memref_squeeze %dma_wait3A_284 : memref<1x80x128xf32, #tpu.memory_space<vmem>> -> memref<80x128xf32, #tpu.memory_space<vmem>>
          %dma_wait3A_286 = arith.constant 0 : i32
          %dma_wait3A_287 = arith.constant 0 : i32
          %dma_wait3A_288 = tpu.memref_slice %arg4[%dma_wait3A_281, %dma_wait3A_286, %dma_wait3A_287] : memref<2x10000x128xf32, #tpu.memory_space<hbm>> -> memref<1x80x128xf32, #tpu.memory_space<hbm>>
          %dma_wait3A_289 = tpu.memref_squeeze %dma_wait3A_288 : memref<1x80x128xf32, #tpu.memory_space<hbm>> -> memref<80x128xf32, #tpu.memory_space<hbm>>
          %dma_wait3A_290 = tpu.memref_slice %arg10[%select_n3A_230] : memref<4x!tpu.dma_semaphore, #tpu.memory_space<semaphore_mem>> -> memref<1x!tpu.dma_semaphore, #tpu.memory_space<semaphore_mem>>
          %dma_wait3A_291 = tpu.memref_squeeze %dma_wait3A_290 : memref<1x!tpu.dma_semaphore, #tpu.memory_space<semaphore_mem>> -> memref<!tpu.dma_semaphore, #tpu.memory_space<semaphore_mem>>
          %dma_wait3A_292 = arith.constant 0 : i32
          %dma_wait3A_293 = arith.constant 0 : i32
          %dma_wait3A_294 = tpu.memref_slice %arg4[%dma_wait3A_281, %dma_wait3A_292, %dma_wait3A_293] : memref<2x10000x128xf32, #tpu.memory_space<hbm>> -> memref<1x80x128xf32, #tpu.memory_space<hbm>>
          %dma_wait3A_295 = tpu.memref_squeeze %dma_wait3A_294 : memref<1x80x128xf32, #tpu.memory_space<hbm>> -> memref<80x128xf32, #tpu.memory_space<hbm>>
          %dma_wait3A_296 = arith.constant 0 : i32
          %dma_wait3A_297 = arith.constant 0 : i32
          %dma_wait3A_298 = tpu.memref_slice %arg8[%select_n3A_230, %dma_wait3A_296, %dma_wait3A_297] : memref<4x80x128xf32, #tpu.memory_space<vmem>> -> memref<1x80x128xf32, #tpu.memory_space<vmem>>
          %dma_wait3A_299 = tpu.memref_squeeze %dma_wait3A_298 : memref<1x80x128xf32, #tpu.memory_space<vmem>> -> memref<80x128xf32, #tpu.memory_space<vmem>>
          tpu.wait_dma2 semaphore(%dma_wait3A_291 : memref<!tpu.dma_semaphore, #tpu.memory_space<semaphore_mem>>) src(%dma_wait3A_299 : memref<80x128xf32, #tpu.memory_space<vmem>>) dst(%dma_wait3A_295 : memref<80x128xf32, #tpu.memory_space<hbm>>)
        } else {
        }
        %dma_start3A_237 = arith.constant 0 : i32
        %dma_start3A_238 = arith.constant 0 : i32
        %dma_start3A_239 = tpu.memref_slice %arg8[%select_n3A_230, %dma_start3A_237, %dma_start3A_238] : memref<4x80x128xf32, #tpu.memory_space<vmem>> -> memref<1x80x128xf32, #tpu.memory_space<vmem>>
        %dma_start3A_240 = tpu.memref_squeeze %dma_start3A_239 : memref<1x80x128xf32, #tpu.memory_space<vmem>> -> memref<80x128xf32, #tpu.memory_space<vmem>>
        %dma_start3A_241 = arith.constant 0 : i32
        %dma_start3A_242 = tpu.memref_slice %arg5[%mul3A_232, %dma_start3A_241] : memref<10000x128xf32, #tpu.memory_space<vmem_shared>> -> memref<80x128xf32, #tpu.memory_space<vmem_shared>>
        %dma_start3A_243 = tpu.memref_slice %arg9[%select_n3A_230] : memref<4x!tpu.dma_semaphore, #tpu.memory_space<semaphore_mem>> -> memref<1x!tpu.dma_semaphore, #tpu.memory_space<semaphore_mem>>
        %dma_start3A_244 = tpu.memref_squeeze %dma_start3A_243 : memref<1x!tpu.dma_semaphore, #tpu.memory_space<semaphore_mem>> -> memref<!tpu.dma_semaphore, #tpu.memory_space<semaphore_mem>>
        %dma_start3A_245 = arith.constant 0 : i32
        %dma_start3A_246 = arith.constant 0 : i32
        %dma_start3A_247 = tpu.memref_slice %arg8[%select_n3A_230, %dma_start3A_245, %dma_start3A_246] : memref<4x80x128xf32, #tpu.memory_space<vmem>> -> memref<1x80x128xf32, #tpu.memory_space<vmem>>
        %dma_start3A_248 = tpu.memref_squeeze %dma_start3A_247 : memref<1x80x128xf32, #tpu.memory_space<vmem>> -> memref<80x128xf32, #tpu.memory_space<vmem>>
        %dma_start3A_249 = arith.constant 0 : i32
        %dma_start3A_250 = tpu.memref_slice %arg5[%mul3A_232, %dma_start3A_249] : memref<10000x128xf32, #tpu.memory_space<vmem_shared>> -> memref<80x128xf32, #tpu.memory_space<vmem_shared>>
        tpu.enqueue_dma source(%dma_start3A_250 : memref<80x128xf32, #tpu.memory_space<vmem_shared>>) target(%dma_start3A_248 : memref<80x128xf32, #tpu.memory_space<vmem>>) target_semaphore(%dma_start3A_244 : memref<!tpu.dma_semaphore, #tpu.memory_space<semaphore_mem>>)
        %dma_wait3A_251 = arith.constant 0 : i32
        %dma_wait3A_252 = arith.constant 0 : i32
        %dma_wait3A_253 = tpu.memref_slice %arg8[%select_n3A_230, %dma_wait3A_251, %dma_wait3A_252] : memref<4x80x128xf32, #tpu.memory_space<vmem>> -> memref<1x80x128xf32, #tpu.memory_space<vmem>>
        %dma_wait3A_254 = tpu.memref_squeeze %dma_wait3A_253 : memref<1x80x128xf32, #tpu.memory_space<vmem>> -> memref<80x128xf32, #tpu.memory_space<vmem>>
        %dma_wait3A_255 = arith.constant 0 : i32
        %dma_wait3A_256 = tpu.memref_slice %arg5[%mul3A_232, %dma_wait3A_255] : memref<10000x128xf32, #tpu.memory_space<vmem_shared>> -> memref<80x128xf32, #tpu.memory_space<vmem_shared>>
        %dma_wait3A_257 = tpu.memref_slice %arg9[%select_n3A_230] : memref<4x!tpu.dma_semaphore, #tpu.memory_space<semaphore_mem>> -> memref<1x!tpu.dma_semaphore, #tpu.memory_space<semaphore_mem>>
        %dma_wait3A_258 = tpu.memref_squeeze %dma_wait3A_257 : memref<1x!tpu.dma_semaphore, #tpu.memory_space<semaphore_mem>> -> memref<!tpu.dma_semaphore, #tpu.memory_space<semaphore_mem>>
        %dma_wait3A_259 = arith.constant 0 : i32
        %dma_wait3A_260 = arith.constant 0 : i32
        %dma_wait3A_261 = tpu.memref_slice %arg8[%select_n3A_230, %dma_wait3A_259, %dma_wait3A_260] : memref<4x80x128xf32, #tpu.memory_space<vmem>> -> memref<1x80x128xf32, #tpu.memory_space<vmem>>
        %dma_wait3A_262 = tpu.memref_squeeze %dma_wait3A_261 : memref<1x80x128xf32, #tpu.memory_space<vmem>> -> memref<80x128xf32, #tpu.memory_space<vmem>>
        %dma_wait3A_263 = arith.constant 0 : i32
        %dma_wait3A_264 = tpu.memref_slice %arg5[%mul3A_232, %dma_wait3A_263] : memref<10000x128xf32, #tpu.memory_space<vmem_shared>> -> memref<80x128xf32, #tpu.memory_space<vmem_shared>>
        tpu.wait_dma2 semaphore(%dma_wait3A_258 : memref<!tpu.dma_semaphore, #tpu.memory_space<semaphore_mem>>) src(%dma_wait3A_264 : memref<80x128xf32, #tpu.memory_space<vmem_shared>>) dst(%dma_wait3A_262 : memref<80x128xf32, #tpu.memory_space<vmem>>)
        %dma_start3A_265 = arith.constant 0 : i32
        %dma_start3A_266 = arith.constant 0 : i32
        %dma_start3A_267 = tpu.memref_slice %arg8[%select_n3A_230, %dma_start3A_265, %dma_start3A_266] : memref<4x80x128xf32, #tpu.memory_space<vmem>> -> memref<1x80x128xf32, #tpu.memory_space<vmem>>
        %dma_start3A_268 = tpu.memref_squeeze %dma_start3A_267 : memref<1x80x128xf32, #tpu.memory_space<vmem>> -> memref<80x128xf32, #tpu.memory_space<vmem>>
        %dma_start3A_269 = arith.constant 0 : i32
        %dma_start3A_270 = tpu.memref_slice %arg4[%arg0, %mul3A_232, %dma_start3A_269] : memref<2x10000x128xf32, #tpu.memory_space<hbm>> -> memref<1x80x128xf32, #tpu.memory_space<hbm>>
        %dma_start3A_271 = tpu.memref_squeeze %dma_start3A_270 : memref<1x80x128xf32, #tpu.memory_space<hbm>> -> memref<80x128xf32, #tpu.memory_space<hbm>>
        %dma_start3A_272 = tpu.memref_slice %arg10[%select_n3A_230] : memref<4x!tpu.dma_semaphore, #tpu.memory_space<semaphore_mem>> -> memref<1x!tpu.dma_semaphore, #tpu.memory_space<semaphore_mem>>
        %dma_start3A_273 = tpu.memref_squeeze %dma_start3A_272 : memref<1x!tpu.dma_semaphore, #tpu.memory_space<semaphore_mem>> -> memref<!tpu.dma_semaphore, #tpu.memory_space<semaphore_mem>>
        %dma_start3A_274 = arith.constant 0 : i32
        %dma_start3A_275 = tpu.memref_slice %arg4[%arg0, %mul3A_232, %dma_start3A_274] : memref<2x10000x128xf32, #tpu.memory_space<hbm>> -> memref<1x80x128xf32, #tpu.memory_space<hbm>>
        %dma_start3A_276 = tpu.memref_squeeze %dma_start3A_275 : memref<1x80x128xf32, #tpu.memory_space<hbm>> -> memref<80x128xf32, #tpu.memory_space<hbm>>
        %dma_start3A_277 = arith.constant 0 : i32
        %dma_start3A_278 = arith.constant 0 : i32
        %dma_start3A_279 = tpu.memref_slice %arg8[%select_n3A_230, %dma_start3A_277, %dma_start3A_278] : memref<4x80x128xf32, #tpu.memory_space<vmem>> -> memref<1x80x128xf32, #tpu.memory_space<vmem>>
        %dma_start3A_280 = tpu.memref_squeeze %dma_start3A_279 : memref<1x80x128xf32, #tpu.memory_space<vmem>> -> memref<80x128xf32, #tpu.memory_space<vmem>>
        tpu.enqueue_dma source(%dma_start3A_280 : memref<80x128xf32, #tpu.memory_space<vmem>>) target(%dma_start3A_276 : memref<80x128xf32, #tpu.memory_space<hbm>>) target_semaphore(%dma_start3A_273 : memref<!tpu.dma_semaphore, #tpu.memory_space<semaphore_mem>>)
      } else {
      }
      %scan3A_220 = arith.constant 0 : i32
      scf.yield %scan3A_220 : i32
    }
    %scan3A_170 = arith.constant 8 : i32
    %dma_wait3A_171 = arith.constant 0 : i32
    %dma_wait3A_172 = arith.constant 0 : i32
    %dma_wait3A_173 = arith.constant 0 : i32
    %dma_wait3A_174 = arith.constant 0 : i32
    %dma_wait3A_175 = arith.constant 0 : i32
    %dma_wait3A_176 = tpu.memref_slice %arg8[%dma_wait3A_171, %dma_wait3A_174, %dma_wait3A_175] : memref<4x80x128xf32, #tpu.memory_space<vmem>> -> memref<1x80x128xf32, #tpu.memory_space<vmem>>
    %dma_wait3A_177 = tpu.memref_squeeze %dma_wait3A_176 : memref<1x80x128xf32, #tpu.memory_space<vmem>> -> memref<80x128xf32, #tpu.memory_space<vmem>>
    %dma_wait3A_178 = arith.constant 0 : i32
    %dma_wait3A_179 = arith.constant 0 : i32
    %dma_wait3A_180 = tpu.memref_slice %arg4[%dma_wait3A_172, %dma_wait3A_178, %dma_wait3A_179] : memref<2x10000x128xf32, #tpu.memory_space<hbm>> -> memref<1x80x128xf32, #tpu.memory_space<hbm>>
    %dma_wait3A_181 = tpu.memref_squeeze %dma_wait3A_180 : memref<1x80x128xf32, #tpu.memory_space<hbm>> -> memref<80x128xf32, #tpu.memory_space<hbm>>
    %dma_wait3A_182 = tpu.memref_slice %arg10[%dma_wait3A_173] : memref<4x!tpu.dma_semaphore, #tpu.memory_space<semaphore_mem>> -> memref<1x!tpu.dma_semaphore, #tpu.memory_space<semaphore_mem>>
    %dma_wait3A_183 = tpu.memref_squeeze %dma_wait3A_182 : memref<1x!tpu.dma_semaphore, #tpu.memory_space<semaphore_mem>> -> memref<!tpu.dma_semaphore, #tpu.memory_space<semaphore_mem>>
    %dma_wait3A_184 = arith.constant 0 : i32
    %dma_wait3A_185 = arith.constant 0 : i32
    %dma_wait3A_186 = tpu.memref_slice %arg4[%dma_wait3A_172, %dma_wait3A_184, %dma_wait3A_185] : memref<2x10000x128xf32, #tpu.memory_space<hbm>> -> memref<1x80x128xf32, #tpu.memory_space<hbm>>
    %dma_wait3A_187 = tpu.memref_squeeze %dma_wait3A_186 : memref<1x80x128xf32, #tpu.memory_space<hbm>> -> memref<80x128xf32, #tpu.memory_space<hbm>>
    %dma_wait3A_188 = arith.constant 0 : i32
    %dma_wait3A_189 = arith.constant 0 : i32
    %dma_wait3A_190 = tpu.memref_slice %arg8[%dma_wait3A_171, %dma_wait3A_188, %dma_wait3A_189] : memref<4x80x128xf32, #tpu.memory_space<vmem>> -> memref<1x80x128xf32, #tpu.memory_space<vmem>>
    %dma_wait3A_191 = tpu.memref_squeeze %dma_wait3A_190 : memref<1x80x128xf32, #tpu.memory_space<vmem>> -> memref<80x128xf32, #tpu.memory_space<vmem>>
    tpu.wait_dma2 semaphore(%dma_wait3A_183 : memref<!tpu.dma_semaphore, #tpu.memory_space<semaphore_mem>>) src(%dma_wait3A_191 : memref<80x128xf32, #tpu.memory_space<vmem>>) dst(%dma_wait3A_187 : memref<80x128xf32, #tpu.memory_space<hbm>>)
    %dma_wait3A_192 = arith.constant 1 : i32
    %dma_wait3A_193 = arith.constant 0 : i32
    %dma_wait3A_194 = arith.constant 1 : i32
    %dma_wait3A_195 = arith.constant 0 : i32
    %dma_wait3A_196 = arith.constant 0 : i32
    %dma_wait3A_197 = tpu.memref_slice %arg8[%dma_wait3A_192, %dma_wait3A_195, %dma_wait3A_196] : memref<4x80x128xf32, #tpu.memory_space<vmem>> -> memref<1x80x128xf32, #tpu.memory_space<vmem>>
    %dma_wait3A_198 = tpu.memref_squeeze %dma_wait3A_197 : memref<1x80x128xf32, #tpu.memory_space<vmem>> -> memref<80x128xf32, #tpu.memory_space<vmem>>
    %dma_wait3A_199 = arith.constant 0 : i32
    %dma_wait3A_200 = arith.constant 0 : i32
    %dma_wait3A_201 = tpu.memref_slice %arg4[%dma_wait3A_193, %dma_wait3A_199, %dma_wait3A_200] : memref<2x10000x128xf32, #tpu.memory_space<hbm>> -> memref<1x80x128xf32, #tpu.memory_space<hbm>>
    %dma_wait3A_202 = tpu.memref_squeeze %dma_wait3A_201 : memref<1x80x128xf32, #tpu.memory_space<hbm>> -> memref<80x128xf32, #tpu.memory_space<hbm>>
    %dma_wait3A_203 = tpu.memref_slice %arg10[%dma_wait3A_194] : memref<4x!tpu.dma_semaphore, #tpu.memory_space<semaphore_mem>> -> memref<1x!tpu.dma_semaphore, #tpu.memory_space<semaphore_mem>>
    %dma_wait3A_204 = tpu.memref_squeeze %dma_wait3A_203 : memref<1x!tpu.dma_semaphore, #tpu.memory_space<semaphore_mem>> -> memref<!tpu.dma_semaphore, #tpu.memory_space<semaphore_mem>>
    %dma_wait3A_205 = arith.constant 0 : i32
    %dma_wait3A_206 = arith.constant 0 : i32
    %dma_wait3A_207 = tpu.memref_slice %arg4[%dma_wait3A_193, %dma_wait3A_205, %dma_wait3A_206] : memref<2x10000x128xf32, #tpu.memory_space<hbm>> -> memref<1x80x128xf32, #tpu.memory_space<hbm>>
    %dma_wait3A_208 = tpu.memref_squeeze %dma_wait3A_207 : memref<1x80x128xf32, #tpu.memory_space<hbm>> -> memref<80x128xf32, #tpu.memory_space<hbm>>
    %dma_wait3A_209 = arith.constant 0 : i32
    %dma_wait3A_210 = arith.constant 0 : i32
    %dma_wait3A_211 = tpu.memref_slice %arg8[%dma_wait3A_192, %dma_wait3A_209, %dma_wait3A_210] : memref<4x80x128xf32, #tpu.memory_space<vmem>> -> memref<1x80x128xf32, #tpu.memory_space<vmem>>
    %dma_wait3A_212 = tpu.memref_squeeze %dma_wait3A_211 : memref<1x80x128xf32, #tpu.memory_space<vmem>> -> memref<80x128xf32, #tpu.memory_space<vmem>>
    tpu.wait_dma2 semaphore(%dma_wait3A_204 : memref<!tpu.dma_semaphore, #tpu.memory_space<semaphore_mem>>) src(%dma_wait3A_212 : memref<80x128xf32, #tpu.memory_space<vmem>>) dst(%dma_wait3A_208 : memref<80x128xf32, #tpu.memory_space<hbm>>)
    return
  }
}

module attributes {stable_mosaic.version = 14 : i64} {
  func.func @_tc_mlp_kernel(%arg0: i32, %arg1: memref<2000x128xf32, #tpu.memory_space<vmem>>, %arg2: memref<2x2000x128xf32, #tpu.memory_space<vmem>>, %arg3: memref<128x128xf32, #tpu.memory_space<vmem>>, %arg4: memref<1x128xf32, #tpu.memory_space<vmem>>, %arg5: memref<128x128xf32, #tpu.memory_space<vmem>>, %arg6: memref<1x128xf32, #tpu.memory_space<vmem>>, %arg7: memref<2000x128xf32, #tpu.memory_space<vmem>>) attributes {dimension_semantics = [#tpu.dimension_semantics<arbitrary>], iteration_bounds = array<i64: 5>, scalar_prefetch = 0 : i64, scratch_operands = 0 : i64, tpu.core_type = #tpu.core_type<tc>, window_params = [{transform_indices = @transform_0, window_bounds = array<i64: 2000, 128>}, {transform_indices = @transform_1, window_bounds = array<i64: 2, 2000, 128>}, {pipeline_mode = #tpu.pipeline_mode<synchronous>, transform_indices = @transform_2, window_bounds = array<i64: 128, 128>}, {pipeline_mode = #tpu.pipeline_mode<synchronous>, transform_indices = @transform_3, window_bounds = array<i64: 1, 128>}, {pipeline_mode = #tpu.pipeline_mode<synchronous>, transform_indices = @transform_4, window_bounds = array<i64: 128, 128>}, {pipeline_mode = #tpu.pipeline_mode<synchronous>, transform_indices = @transform_5, window_bounds = array<i64: 1, 128>}, {transform_indices = @transform_6, window_bounds = array<i64: 2000, 128>}]} {
    %get3A = arith.constant 0 : index
    %get3A_0 = arith.constant 0 : index
    %get3A_1 = vector.load %arg1[%get3A, %get3A_0] : memref<2000x128xf32, #tpu.memory_space<vmem>>, vector<2000x128xf32>
    %mul3A = arith.constant 1.000000e+00 : f32
    %mul3A_2 = vector.broadcast %mul3A : f32 to vector<2000x128xf32>
    %mul3A_3 = arith.mulf %mul3A_2, %get3A_1 : vector<2000x128xf32>
    %get3A_4 = arith.constant 0 : index
    %get3A_5 = arith.constant 0 : index
    %get3A_6 = arith.constant 0 : index
    %get3A_7 = vector.load %arg2[%get3A_4, %get3A_5, %get3A_6] : memref<2x2000x128xf32, #tpu.memory_space<vmem>>, vector<1x2000x128xf32>
    %get3A_8 = vector.shape_cast %get3A_7 : vector<1x2000x128xf32> to vector<2000x128xf32>
    %add3A = arith.addf %mul3A_3, %get3A_8 : vector<2000x128xf32>
    %get3A_9 = arith.constant 1 : index
    %get3A_10 = arith.constant 0 : index
    %get3A_11 = arith.constant 0 : index
    %get3A_12 = vector.load %arg2[%get3A_9, %get3A_10, %get3A_11] : memref<2x2000x128xf32, #tpu.memory_space<vmem>>, vector<1x2000x128xf32>
    %get3A_13 = vector.shape_cast %get3A_12 : vector<1x2000x128xf32> to vector<2000x128xf32>
    %add3A_14 = arith.addf %add3A, %get3A_13 : vector<2000x128xf32>
    %get3A_15 = arith.constant 0 : index
    %get3A_16 = arith.constant 0 : index
    %get3A_17 = vector.load %arg3[%get3A_15, %get3A_16] : memref<128x128xf32, #tpu.memory_space<vmem>>, vector<128x128xf32>
    %dot_general3A = arith.constant dense<0.000000e+00> : vector<2000x128xf32>
    %dot_general3A_18 = tpu.matmul %add3A_14, %get3A_17, %dot_general3A {dimension_numbers = #tpu.dot_dimension_numbers<[1], [0], [0], [1], [0, 0, 1, 1], [], []>, transpose_lhs_hint = false} : vector<2000x128xf32>, vector<128x128xf32>, vector<2000x128xf32> -> vector<2000x128xf32>
    %get3A_19 = arith.constant 0 : index
    %get3A_20 = arith.constant 0 : index
    %get3A_21 = vector.load %arg4[%get3A_19, %get3A_20] : memref<1x128xf32, #tpu.memory_space<vmem>>, vector<1x128xf32>
    %add3A_22 = vector.broadcast %get3A_21 : vector<1x128xf32> to vector<2000x128xf32>
    %add3A_23 = arith.addf %dot_general3A_18, %add3A_22 : vector<2000x128xf32>
    %max3A = arith.constant 0.000000e+00 : f32
    %max3A_24 = vector.broadcast %max3A : f32 to vector<2000x128xf32>
    %max3A_25 = arith.maximumf %add3A_23, %max3A_24 : vector<2000x128xf32>
    %get3A_26 = arith.constant 0 : index
    %get3A_27 = arith.constant 0 : index
    %get3A_28 = vector.load %arg5[%get3A_26, %get3A_27] : memref<128x128xf32, #tpu.memory_space<vmem>>, vector<128x128xf32>
    %dot_general3A_29 = arith.constant dense<0.000000e+00> : vector<2000x128xf32>
    %dot_general3A_30 = tpu.matmul %max3A_25, %get3A_28, %dot_general3A_29 {dimension_numbers = #tpu.dot_dimension_numbers<[1], [0], [0], [1], [0, 0, 1, 1], [], []>, transpose_lhs_hint = false} : vector<2000x128xf32>, vector<128x128xf32>, vector<2000x128xf32> -> vector<2000x128xf32>
    %get3A_31 = arith.constant 0 : index
    %get3A_32 = arith.constant 0 : index
    %get3A_33 = vector.load %arg6[%get3A_31, %get3A_32] : memref<1x128xf32, #tpu.memory_space<vmem>>, vector<1x128xf32>
    %add3A_34 = vector.broadcast %get3A_33 : vector<1x128xf32> to vector<2000x128xf32>
    %add3A_35 = arith.addf %dot_general3A_30, %add3A_34 : vector<2000x128xf32>
    %swap3A = arith.constant 0 : index
    %swap3A_36 = arith.constant 0 : index
    %swap3A_37 = vector.load %arg7[%swap3A, %swap3A_36] : memref<2000x128xf32, #tpu.memory_space<vmem>>, vector<2000x128xf32>
    tpu.vector_store %arg7[%swap3A, %swap3A_36], %add3A_35 {strides = array<i32>} : memref<2000x128xf32, #tpu.memory_space<vmem>>, vector<2000x128xf32>,
    return
  }
  func.func @transform_0(%arg0: i32) -> (i32, i32) {
    %c0_i32 = arith.constant 0 : i32
    %c0_i32_0 = arith.constant 0 : i32
    return %arg0, %c0_i32 : i32, i32
  }
  func.func @transform_1(%arg0: i32) -> (i32, i32, i32) {
    %c0_i32 = arith.constant 0 : i32
    %c0_i32_0 = arith.constant 0 : i32
    %c0_i32_1 = arith.constant 0 : i32
    return %c0_i32, %arg0, %c0_i32_0 : i32, i32, i32
  }
  func.func @transform_2(%arg0: i32) -> (i32, i32) {
    %c0_i32 = arith.constant 0 : i32
    %c0_i32_0 = arith.constant 0 : i32
    %c0_i32_1 = arith.constant 0 : i32
    return %c0_i32, %c0_i32_0 : i32, i32
  }
  func.func @transform_3(%arg0: i32) -> (i32, i32) {
    %c0_i32 = arith.constant 0 : i32
    %c0_i32_0 = arith.constant 0 : i32
    %c0_i32_1 = arith.constant 0 : i32
    return %c0_i32, %c0_i32_0 : i32, i32
  }
  func.func @transform_4(%arg0: i32) -> (i32, i32) {
    %c0_i32 = arith.constant 0 : i32
    %c0_i32_0 = arith.constant 0 : i32
    %c0_i32_1 = arith.constant 0 : i32
    return %c0_i32, %c0_i32_0 : i32, i32
  }
  func.func @transform_5(%arg0: i32) -> (i32, i32) {
    %c0_i32 = arith.constant 0 : i32
    %c0_i32_0 = arith.constant 0 : i32
    %c0_i32_1 = arith.constant 0 : i32
    return %c0_i32, %c0_i32_0 : i32, i32
  }
  func.func @transform_6(%arg0: i32) -> (i32, i32) {
    %c0_i32 = arith.constant 0 : i32
    %c0_i32_0 = arith.constant 0 : i32
    return %arg0, %c0_i32 : i32, i32
  }
}

</mosaic_0001>

<sc_bundles>
// kernel: kernel.4.cloned.1.call-start
scs
__scs_entry_jumppad:
0x0: {  	(pc) =	sbr.rel $0x88, $3  }
0x1: {  	(tag) =	ssettag $0x0;
	lr =	simm.s32 $0x1  }
0x2: {  	[smem:$0x3F9B] =	sst lr;
	_ =	strace $0xD0000000  }
0x3: {  	_ = 	snop  }
0x4: {  	_ = 	snop  }
0x5: {  	_ = 	snop  }
0x6: {  	_ = 	snop  }
0x7: {  	_ = 	snop  }
__scs_overlays_trampoline_lowered:
0x8: {  	[smem:$0x3FAA] =	sst s0  }
0x9: {  	[smem:$0x3FAB] =	sst s1  }
0xa: {  	[smem:$0x3FAC] =	sst s2  }
0xb: {  	[smem:$0x3FAD] =	sst s3  }
0xc: {  	[smem:$0x3FAE] =	sst s4  }
0xd: {  	[smem:$0x3FAF] =	sst s5  }
0xe: {  	[smem:$0x3FB0] =	sst s6  }
0xf: {  	[smem:$0x3FB1] =	sst s7  }
0x10: {  	[smem:$0x3FB2] =	sst s8  }
0x11: {  	[smem:$0x3FB3] =	sst s9;
	s0 =	simm.s32 @!p0 $0x0  }
0x12: {  	s1 =	sld [smem:$0x3F99];
	s0 =	simm.s32 @p0 $0x1  }
0x13: {  	[smem:$0x3FB4] =	sst s0;
	s0 =	simm.s32 @!p1 $0x0  }
0x14: {  	s2 =	sld [smem:$0x3F98];
	s0 =	simm.s32 @p1 $0x1  }
0x15: {  	[smem:$0x3FB5] =	sst s0;
	s0 =	simm.s32 @!p2 $0x0  }
0x16: {  	s3 =	sld [smem:$0x3FDB];
	s0 =	simm.s32 @p2 $0x1  }
0x17: {  	s4 =	simm.s32 $0x1BF5;
	[smem:$0x3FB7] =	sst s0  }
0x18: {  	s0 =	sld [smem:$0x3F9A];
	_ =	swait.ge [sflag:s4], $0x0  }
0x19: {  	s7 =	sld [smem:$0x3F9B]  }
0x1a: {  	s8 =	sadd.s32 $0xFFFFE003, lr  }
0x1b: {  	s9 =	sadd.s32 $0xFFFFFEF7, lr;
	s5 =	simm.s32 $0xFFFFFFFF;
	p2 =	slt.u32 s8, $0xFFFFF086  }
0x1c: {  	p1 =	slt.u32 s9, $0xF7A;
	s5 =	simm.s32 @!p2 $0x0  }
0x1d: {  	s5 =	simm.s32 @p1 $0x1;
	p0 =	seq.s32 s7, s2  }
0x1e: {  	s7 =	smul.u32 @!p0 $0xF7A, s2;
	p2 =	seq.s32 @!p0 s5, $0x0  }
0x1f: {  	s9 =	smul.u32 $0xF7A, s1;
	s8 =	simm.s32 @!p0 $0x1BF5;
	p2 =	por !p2, p0  }
0x20: {  	[sflag:s8] =	ssyncset.s32 @!p0 $0xFFFFF086;
	s6 =	sadd.s32 @!p0 s3, s7;
	s7 =	simm.s32 @!p0 $0x108  }
0x21: {  	s3 =	sadd.s32 s3, s9;
	s6 =	sadd.s32 @!p0 $0x88, s6;
	s7 =	simm.s32 @p2 $0x1082  }
0x22: {  	[simem:s7], [sflag:s8] =	dma.local @!p0 [hbm:s6], $0xF7A  }
0x23: {  	s9 =	sor.u32 $0xD0000000, s2;
	s6 =	simm.s32 $0x108;
	_ =	swait.ge @!p0 [sflag:s8], $0x0  }
0x24: {  	s3 =	sadd.s32 $0x88, s3;
	s6 =	simm.s32 @!p1 $0x1082;
	[sflag:s4] =	ssyncset.s32 $0xFFFFF086  }
0x25: {  	[simem:s6], [sflag:s4] =	dma.local [hbm:s3], $0xF7A  }
0x26: {  	[smem:$0x3F9B] =	sst s1;
	(tag) =	ssettag s2;
	_ =	strace s9  }
0x27: {  	s1 =	sld [smem:$0x3FAB]  }
0x28: {  	s2 =	sld [smem:$0x3FAC]  }
0x29: {  	s4 =	sld [smem:$0x3FAE]  }
0x2a: {  	p0 =	seq.s32 s5, $0x0;
	s5 =	sld [smem:$0x3FAF]  }
0x2b: {  	s6 =	sld [smem:$0x3FB0]  }
0x2c: {  	s7 =	sld [smem:$0x3FB1]  }
0x2d: {  	s3 =	simm.s32 $0x108;
	s8 =	sld [smem:$0x3FB2]  }
0x2e: {  	s3 =	simm.s32 @!p0 $0x1082;
	s9 =	sld [smem:$0x3FB3]  }
0x2f: {  	lr =	sadd.s32 s0, s3;
	s0 =	sld [smem:$0x3FAA]  }
0x30: {  	s3 =	sld [smem:$0x3FAD]  }
0x31: {  	[smem:$0x3FB6] =	sst s10  }
0x32: {  	s10 =	sld [smem:$0x3FB4];
	_ =	sdelay $0x3  }
0x33: {  	p0 =	seq.s32 s10, $0x1;
	s10 =	sld [smem:$0x3FB6];
	_ =	sdelay $0x3  }
0x34: {  	[smem:$0x3FB6] =	sst s10  }
0x35: {  	s10 =	sld [smem:$0x3FB5];
	_ =	sdelay $0x3  }
0x36: {  	p1 =	seq.s32 s10, $0x1;
	s10 =	sld [smem:$0x3FB6];
	_ =	sdelay $0x3  }
0x37: {  	[smem:$0x3FB6] =	sst s10  }
0x38: {  	s10 =	sld [smem:$0x3FB7]  }
0x39: {  	_ = 	snop;
	(pc) =	sbr.ind lr, $3  }
0x3a: {  	_ = 	snop  }
0x3b: {  	_ = 	snop  }
0x3c: {  	p2 =	seq.s32 s10, $0x1;
	s10 =	sld [smem:$0x3FB6]  }
0x3d: {  	_ =	shalt  }
0x3e: {  	_ =	shalt  }
0x3f: {  	_ =	shalt  }
0x40: {  	_ =	shalt  }
0x41: {  	_ =	shalt  }
0x42: {  	_ =	shalt  }
0x43: {  	_ =	shalt  }
0x44: {  	_ =	shalt  }
0x45: {  	_ =	shalt  }
0x46: {  	_ =	shalt  }
0x47: {  	_ =	shalt  }
0x48: {  	_ =	shalt  }
0x49: {  	_ =	shalt  }
0x4a: {  	_ =	shalt  }
0x4b: {  	_ =	shalt  }
0x4c: {  	_ =	shalt  }
0x4d: {  	_ =	shalt  }
0x4e: {  	_ =	shalt  }
0x4f: {  	_ =	shalt  }
0x50: {  	_ =	shalt  }
0x51: {  	_ =	shalt  }
0x52: {  	_ =	shalt  }
0x53: {  	_ =	shalt  }
0x54: {  	_ =	shalt  }
0x55: {  	_ =	shalt  }
0x56: {  	_ =	shalt  }
0x57: {  	_ =	shalt  }
0x58: {  	_ =	shalt  }
0x59: {  	_ =	shalt  }
0x5a: {  	_ =	shalt  }
0x5b: {  	_ =	shalt  }
0x5c: {  	_ =	shalt  }
0x5d: {  	_ =	shalt  }
0x5e: {  	_ =	shalt  }
0x5f: {  	_ =	shalt  }
0x60: {  	_ =	shalt  }
0x61: {  	_ =	shalt  }
0x62: {  	_ =	shalt  }
0x63: {  	_ =	shalt  }
0x64: {  	_ =	shalt  }
0x65: {  	_ =	shalt  }
0x66: {  	_ =	shalt  }
0x67: {  	_ =	shalt  }
0x68: {  	_ =	shalt  }
0x69: {  	_ =	shalt  }
0x6a: {  	_ =	shalt  }
0x6b: {  	_ =	shalt  }
0x6c: {  	_ =	shalt  }
0x6d: {  	_ =	shalt  }
0x6e: {  	_ =	shalt  }
0x6f: {  	_ =	shalt  }
0x70: {  	_ =	shalt  }
0x71: {  	_ =	shalt  }
0x72: {  	_ =	shalt  }
0x73: {  	_ =	shalt  }
0x74: {  	_ =	shalt  }
0x75: {  	_ =	shalt  }
0x76: {  	_ =	shalt  }
0x77: {  	_ =	shalt  }
0x78: {  	_ =	shalt  }
0x79: {  	_ =	shalt  }
0x7a: {  	_ =	shalt  }
0x7b: {  	_ =	shalt  }
0x7c: {  	_ =	shalt  }
0x7d: {  	_ =	shalt  }
0x7e: {  	_ =	shalt  }
0x7f: {  	_ =	shalt  }
0x80: {  	_ =	shalt  }
0x81: {  	_ =	shalt  }
0x82: {  	_ =	shalt  }
0x83: {  	_ =	shalt  }
0x84: {  	_ =	shalt  }
0x85: {  	_ =	shalt  }
0x86: {  	_ =	shalt  }
0x87: {  	_ =	shalt  }
.Lfunc_end0:
.L_simem_size_0:
called_computation_lowered:
.L_overlay_start_0:
0x88: {  	s2 =	sld [smem:$0x3FD9]  }
0x89: {  	s3 =	sld [smem:$0x3FFE];
	_ =	sdelay $0x1  }
0x8a: {  	s1 =	srdreg.scid  }
0x8b: {  	s0 =	sand.u32 $0x1, s1  }
0x8c: {  	s17 =	sshll.u32 s0, $0xA;
	s2 =	sadd.s32 s3, s2  }
0x8d: {  	s2 =	sadd.s32 s2, s17  }
0x8e: {  	[smem:$0x3FC2] =	sst s2  }
0x8f: {  	_ = 	snop  }
0x90: {  	s2 =	sld [smem:$0x3FC9];
	(tm) =	ssettm $0x1  }
0x91: {  	s18 =	sld [smem:$0x3FFB];
	_ =	sdelay $0x3  }
0x92: {  	_ =	strace s18  }
0x93: {  	s3 =	sld [smem:$0x3FFC];
	_ =	sdelay $0x3  }
0x94: {  	_ =	strace s3  }
0x95: {  	s3 =	sld [smem:$0x3FFD];
	_ =	sdelay $0x3  }
0x96: {  	_ =	strace s3  }
0x97: {  	_ =	strace $0x8FFFFFFF  }
0x98: {  	s19 =	sld [smem:$0x3FDB];
	_ =	sdelay $0x1  }
0x99: {  	s4 =	simm.s32 $_scs_section_size  }
0x9a: {  	s5 =	simm.s32 $_size__tile_overlayer_lowered;
	s6 =	simm.s32 $_tile_overlayer_lowered  }
0x9b: {  	s22 =	simm.s32 $0x1BFF;
	s21 =	sshll.u32 s6, $0x1;
	s3 =	sadd.s32 s4, s19  }
0x9c: {  	s7 =	simm.s32 $0x0;
	s20 =	sshll.u32 s5, $0x1;
	s5 =	sadd.s32 s21, s3  }
0x9d: {  	[timem:s7], [sflag:s22] =	dma.local [hbm:s5], s20  }
0x9e: {  	_ =	swait.ge [sflag:s22], s20  }
0x9f: {  	s4 =	ssub.s32 $0x0, s20;
	[sflag:s22] =	ssyncset.done $0x0  }
0xa0: {  	[sflag:s22] =	ssyncadd.s32 s4;
	_ =	sdelay $0x1  }
0xa1: {  	s23 =	simm.s32 $0x1B8B  }
0xa2: {  	_ =	swait.ge [sflag:s23], $0x1  }
0xa3: {  	[sflag:s23] =	ssyncset.done $0x0  }
0xa4: {  	s25 =	simm.s32 $0x1B8E;
	s24 =	sld [smem:$0x3FFE];
	[sflag:s23] =	ssyncadd.s32 $0xFFFFFFFF  }
0xa5: {  	s26 =	simm.s32 $execute0_lowered;
	[smem:$0x3FD2] =	sst s25  }
0xa6: {  	s5 =	sshll.u32 s26, $0x1;
	_ =	strace $0x80000046;
	[dreg:$0x1] =	wrdreg $0xFFFFFFFF  }
0xa7: {  	s28 =	simm.s32 $_size_execute0_lowered;
	s3 =	sadd.s32 s3, s5;
	[dreg:$0x0] =	wrdreg $0x0  }
0xa8: {  	s5 =	sshll.u32 s28, $0x1;
	[dreg:$0x2] =	wrdreg s3  }
0xa9: {  	[dreg:$0x3] =	wrdreg s5  }
0xaa: {  	[dreg:$0x4] =	wrdreg $0xC0  }
0xab: {  	_ =	task [dreg:s7], $0x5FFFF  }
0xac: {  	[dreg:$0x1] =	wrdreg $0xFFFFFFFF  }
0xad: {  	[dreg:$0x0] =	wrdreg $0x60  }
0xae: {  	[dreg:$0x2] =	wrdreg s2  }
0xaf: {  	[dreg:$0x3] =	wrdreg s24  }
0xb0: {  	[dreg:$0x4] =	wrdreg $0x0  }
0xb1: {  	[dreg:$0x5] =	wrdreg $0x9  }
0xb2: {  	_ =	task.clear_ibuf [dreg:s7], $0x6FFFF;
	_ =	strace $0x90000046  }
0xb3: {  	s29 =	simm.s32 $0x9;
	_ =	strace $0x80000048  }
0xb4: {  	_ =	swait.ge [sflag:s29], $0x1  }
0xb5: {  	[sflag:s29] =	ssyncadd.s32 $0xFFFFFFFF  }
0xb6: {  	_ =	strace $0x90000048  }
0xb7: {  	_ =	sfence  }
0xb8: {  	s30 =	sld [smem:$0x0];
	_ =	sdelay $0x2  }
0xb9: {  	s31 =	sshll.u32 s1, $0xD;
	s1 =	sshrl.u32 s1, $0x2  }
0xba: {  	s3 =	sand.u32 $0x4000, s31;
	s1 =	sadd.s32 s1, s30  }
0xbb: {  	s0 =	sor.u32 s3, s0;
	s1 =	sshll.u32 s1, $0x11  }
0xbc: {  	s0 =	sor.u32 s1, s0  }
0xbd: {  	s0 =	sadd.s32 $0x8F2B, s0  }
0xbe: {  	[sflag:s0] =	ssyncadd.remote.s32 $0x1  }
0xbf: {  	_ =	sfence.sel $0xFFFF  }
0xc0: {  	[dreg:$0x0] =	wrdreg $0xFFFFFFFF;
	(pc) =	sbr.abs _section_cstart, $3  }
0xc1: {  	[dreg:$0x1] =	wrdreg $0xFFFFFFFF  }
0xc2: {  	_ =	task.clear_ibuf [dreg:s7], $0x2FFFF;
	_ =	strace $0x9FFFFFFF  }
0xc3: {  	(tm) =	ssettm $0x7FFFFFFF  }
tec
execute0_lowered:
.L_overlay_start_1:
0x0: {  	(tag) =	ssettag $0x1  }
0x1: {  	s1 =	rddreg [dreg:$0x0]  }
0x2: {  	s0 =	rddreg [dreg:$0x1]  }
0x3: {  	s2 =	rddreg [dreg:$0x2]  }
0x4: {  	s3 =	srdreg.scid;
	s4 =	simm.s32 $0x0;
	s23 =	stileid.u32  }
0x5: {  	s29 =	simm.s32 $0x9;
	s3 =	sand.u32 $0x1, s3;
	s9 =	smul.u32 $0x2800, s23  }
0x6: {  	s30 =	simm.s32 $0x50;
	s8 =	sor.u32 $0x10, s23;
	s7 =	smul.u32 $0x138800, s3  }
0x7: {  	s31 =	simm.s32 $0x14880;
	s11 =	sor.u32 $0x20, s23;
	s12 =	smul.u32 $0x2800, s8  }
0x8: {  	s28 =	simm.s32 $0x1C080;
	s15 =	sor.u32 $0x40, s23;
	s13 =	smul.u32 $0x2800, s11  }
0x9: {  	[smem:$0x7FF] =	sst s4;
	s21 =	sor.u32 $0x60, s23;
	s17 =	smul.u32 $0x2800, s15  }
0xa: {  	s6 =	sadd.s32 $0x1600, s0;
	s22 =	sor.u32 $0x70, s23;
	s19 =	smul.u32 $0x2800, s21  }
0xb: {  	s0 =	sadd.s32 $0x33600, s0;
	s5 =	sshll.u32 s3, $0x4;
	s20 =	smul.u32 $0x2800, s22  }
0xc: {  	_ =	strace $0x80000047;
	s3 =	ssub.s32 $0x2, s3;
	s8 =	smul.u32 $0xA000, s8  }
0xd: {  	p0 =	sgt.u32 s22, $0x7C;
	s5 =	sor.u32 s23, s5;
	s10 =	sshrl.u32 s3, $0x1  }
0xe: {  	s5 =	smul.u32 $0x6400, s5;
	s3 =	ssub.s32 s3, s10;
	s10 =	sor.u32 $0x30, s23  }
0xf: {  	s9 =	sadd.s32 s7, s9;
	s12 =	sadd.s32 s7, s12;
	s13 =	sadd.s32 s7, s13  }
0x10: {  	s17 =	sadd.s32 s7, s17;
	s19 =	sadd.s32 s7, s19;
	s16 =	smul.u32 $0x2800, s10  }
0x11: {  	s9 =	sshrl.u32 s9, $0x3;
	s26 =	sshrl.u32 s12, $0x3;
	s12 =	sshrl.u32 s13, $0x3  }
0x12: {  	s17 =	sshrl.u32 s17, $0x3;
	s3 =	smax.u32 s3, $0x1;
	s14 =	sshrl.u32 s5, $0x3  }
0x13: {  	s9 =	sadd.s32 s0, s9;
	[dreg:$0xe] =	wrdreg s3;
	s3 =	simm.s32 $0x17080  }
0x14: {  	s24 =	sadd.s32 s6, s14;
	s14 =	sor.u32 $0x50, s23;
	s16 =	sadd.s32 s7, s16  }
0x15: {  	[dreg:$0x5] =	wrdreg s9;
	s9 =	sadd.s32 s0, s26;
	s18 =	smul.u32 $0x2800, s14  }
0x16: {  	[dreg:$0x6] =	wrdreg s9;
	s13 =	sshrl.u32 s16, $0x3;
	s9 =	sadd.s32 s0, s12  }
0x17: {  	[dreg:$0x4] =	wrdreg s24;
	s26 =	sadd.s32 $0x19000, s24;
	s12 =	sshrl.u32 s8, $0x2  }
0x18: {  	[dreg:$0x7] =	wrdreg s9;
	s16 =	sadd.s32 s0, s13;
	s9 =	sadd.s32 s0, s17  }
0x19: {  	[dreg:$0xd] =	wrdreg s26;
	s13 =	smul.u32 $0xA000, s15;
	s17 =	sadd.s32 s12, s2  }
0x1a: {  	s15 =	smul.u32 $0xA000, s14;
	s18 =	sadd.s32 s7, s18;
	[dreg:$0x8] =	wrdreg s16  }
0x1b: {  	s7 =	sadd.s32 s7, s20;
	s20 =	smul.u32 $0xA000, s23;
	[dreg:$0x9] =	wrdreg s9  }
0x1c: {  	s23 =	sshrl.u32 s19, $0x3;
	s19 =	smul.u32 $0xA000, s21;
	s18 =	sshrl.u32 s18, $0x3  }
0x1d: {  	s25 =	sadd.s32 s0, s23;
	s7 =	sshrl.u32 s7, $0x3;
	s8 =	sshrl.u32 s13, $0x2  }
0x1e: {  	s9 =	sadd.s32 s0, s18;
	s0 =	sadd.s32 s0, s7;
	s7 =	smul.u32 $0xA000, s11  }
0x1f: {  	s24 =	sshrl.u32 s15, $0x2;
	[dreg:$0xb] =	wrdreg s25;
	s11 =	smul.u32 $0xA000, s10  }
0x20: {  	s23 =	sadd.s32 s24, s2;
	s25 =	sshrl.u32 s19, $0x2;
	[dreg:$0xa] =	wrdreg s9  }
0x21: {  	s10 =	simm.s32 $0x6;
	[dreg:$0xc] =	wrdreg s0;
	s9 =	sshrl.u32 s20, $0x2  }
0x22: {  	s20 =	smul.u32 $0xA000, s22;
	s22 =	sadd.s32 s8, s2;
	s24 =	sadd.s32 s25, s2  }
.Ltmp0:
0x23: {  	s8 =	simm.s32 $0x1;
	s16 =	sadd.s32 s9, s2;
	(pc) =	sbr.rel .LBB2_1-.Ltmp0, $4  }
0x24: {  	s0 =	sshrl.u32 s7, $0x2;
	s18 =	sshrl.u32 s11, $0x2;
	s7 =	simm.s32 $0x5  }
0x25: {  	s9 =	simm.s32 $0x2;
	s11 =	simm.s32 $0x0;
	s0 =	sadd.s32 s0, s2  }
0x26: {  	s21 =	sadd.s32 s18, s2;
	s26 =	sshrl.u32 s20, $0x2;
	s18 =	simm.s32 $0x13880  }
0x27: {  	v0 =	vimm.f32 $0.0e+00;
	[dreg:$0xf] =	wrdreg s0;
	s25 =	sadd.s32 s26, s2;
	s0 =	simm.s32 $0xA  }
.LBB2_11:
0x28: {  	_ =	swait.ge [sflag:s7], $0x2800  }
0x29: {  	[sflag:s7] =	ssyncset.done $0x0  }
0x2a: {  	[sflag:s7] =	ssyncadd.s32 $0xFFFFD800  }
0x2b: {  	[bflag:$0x0] =	sbarrier.arrive $0xFFFF  }
0x2c: {  	[tilespmem:s31], [sflag:$0x1] =	stream.linear.gather [spmem:s19], $0x2800, $0x38;
	[tilespmem:$0x1E880] =	vst v63  }
0x2d: {  	_ =	swait.ge [sflag:s8], $0x2800  }
0x2e: {  	[sflag:s8] =	ssyncset.done $0x0  }
0x2f: {  	s12 =	rddreg [dreg:$0x5];
	[sflag:s8] =	ssyncadd.s32 $0xFFFFD800  }
0x30: {  	[hbm4b:s12+s4] =	stream.linear.scatter [tilespmem:s31], [sflag:$0x5], $0x2800, $0x38;
	[tilespmem:$0x1E880] =	vst v63  }
0x31: {  	_ = 	snop  }
0x32: {  	[tilespmem:s3], [sflag:$0x2] =	stream.linear.gather [spmem:s20], $0x2800, $0x38;
	[tilespmem:$0x1E880] =	vst v63  }
0x33: {  	_ =	swait.ge [sflag:s9], $0x2800  }
0x34: {  	[sflag:s9] =	ssyncset.done $0x0  }
0x35: {  	s26 =	rddreg [dreg:$0x6];
	[sflag:s9] =	ssyncadd.s32 $0xFFFFD800  }
0x36: {  	[hbm4b:s26+s4] =	stream.linear.scatter [tilespmem:s3], [sflag:$0x6], $0x2800, $0x38;
	[tilespmem:$0x1E880] =	vst v63  }
0x37: {  	_ =	swait.ge [sflag:s7], $0x2800  }
0x38: {  	[sflag:s7] =	ssyncset.done $0x0  }
0x39: {  	s13 =	rddreg [dreg:$0xf];
	[sflag:s7] =	ssyncadd.s32 $0xFFFFD800  }
0x3a: {  	[tilespmem:s31], [sflag:$0x1] =	stream.linear.gather [spmem:s13], $0x2800, $0x38;
	[tilespmem:$0x1E880] =	vst v63  }
0x3b: {  	_ =	swait.ge [sflag:s8], $0x2800  }
0x3c: {  	[sflag:s8] =	ssyncset.done $0x0  }
0x3d: {  	s14 =	rddreg [dreg:$0x7];
	[sflag:s8] =	ssyncadd.s32 $0xFFFFD800  }
0x3e: {  	[hbm4b:s14+s4] =	stream.linear.scatter [tilespmem:s31], [sflag:$0x5], $0x2800, $0x38;
	[tilespmem:$0x1E880] =	vst v63  }
0x3f: {  	_ =	swait.ge [sflag:s10], $0x2800  }
0x40: {  	[sflag:s10] =	ssyncset.done $0x0  }
0x41: {  	[sflag:s10] =	ssyncadd.s32 $0xFFFFD800  }
0x42: {  	[tilespmem:s3], [sflag:$0x2] =	stream.linear.gather [spmem:s21], $0x2800, $0x38;
	[tilespmem:$0x1E880] =	vst v63  }
0x43: {  	_ =	swait.ge [sflag:s9], $0x2800  }
0x44: {  	[sflag:s9] =	ssyncset.done $0x0  }
0x45: {  	s15 =	rddreg [dreg:$0x8];
	[sflag:s9] =	ssyncadd.s32 $0xFFFFD800  }
0x46: {  	[hbm4b:s15+s4] =	stream.linear.scatter [tilespmem:s3], [sflag:$0x6], $0x2800, $0x38;
	[tilespmem:$0x1E880] =	vst v63  }
0x47: {  	_ =	swait.ge [sflag:s7], $0x2800  }
0x48: {  	[sflag:s7] =	ssyncset.done $0x0  }
0x49: {  	[sflag:s7] =	ssyncadd.s32 $0xFFFFD800  }
0x4a: {  	[tilespmem:s31], [sflag:$0x1] =	stream.linear.gather [spmem:s22], $0x2800, $0x38;
	[tilespmem:$0x1E880] =	vst v63  }
0x4b: {  	_ =	swait.ge [sflag:s8], $0x2800  }
0x4c: {  	[sflag:s8] =	ssyncset.done $0x0  }
0x4d: {  	s18 =	rddreg [dreg:$0x9];
	[sflag:s8] =	ssyncadd.s32 $0xFFFFD800  }
0x4e: {  	[hbm4b:s18+s4] =	stream.linear.scatter [tilespmem:s31], [sflag:$0x5], $0x2800, $0x38;
	[tilespmem:$0x1E880] =	vst v63  }
0x4f: {  	_ =	swait.ge [sflag:s10], $0x2800  }
0x50: {  	[sflag:s10] =	ssyncset.done $0x0  }
0x51: {  	[sflag:s10] =	ssyncadd.s32 $0xFFFFD800  }
0x52: {  	[tilespmem:s3], [sflag:$0x2] =	stream.linear.gather [spmem:s23], $0x2800, $0x38;
	[tilespmem:$0x1E880] =	vst v63  }
0x53: {  	_ =	swait.ge [sflag:s9], $0x2800  }
0x54: {  	[sflag:s9] =	ssyncset.done $0x0  }
0x55: {  	s16 =	smov.u32 s19;
	s19 =	rddreg [dreg:$0xa];
	[sflag:s9] =	ssyncadd.s32 $0xFFFFD800  }
0x56: {  	[hbm4b:s19+s4] =	stream.linear.scatter [tilespmem:s3], [sflag:$0x6], $0x2800, $0x38;
	[tilespmem:$0x1E880] =	vst v63  }
0x57: {  	_ =	swait.ge [sflag:s7], $0x2800  }
0x58: {  	[sflag:s7] =	ssyncset.done $0x0  }
0x59: {  	[sflag:s7] =	ssyncadd.s32 $0xFFFFD800  }
0x5a: {  	[tilespmem:s31], [sflag:$0x1] =	stream.linear.gather [spmem:s24], $0x2800, $0x38;
	[tilespmem:$0x1E880] =	vst v63  }
0x5b: {  	_ =	swait.ge [sflag:s8], $0x2800  }
0x5c: {  	s17 =	smov.u32 s20;
	[sflag:s8] =	ssyncset.done $0x0  }
0x5d: {  	s12 =	simm.s32 @!p0 $0x6;
	s20 =	rddreg [dreg:$0xb];
	[sflag:s8] =	ssyncadd.s32 $0xFFFFD800  }
0x5e: {  	[hbm4b:s20+s4] =	stream.linear.scatter [tilespmem:s31], [sflag:$0x5], $0x2800, $0x38;
	[tilespmem:$0x1E880] =	vst v63  }
0x5f: {  	_ =	swait.ge @!p0 [sflag:s12], $0x2800  }
0x60: {  	[sflag:s12] =	ssyncset.done @!p0 $0x0  }
0x61: {  	s13 =	simm.s32 @!p0 $0x2;
	[sflag:s12] =	ssyncadd.s32 @!p0 $0xFFFFD800;
	s12 =	simm.s32 @!p0 $0x17080  }
0x62: {  	[tilespmem:s12], [sflag:$0x2] =	stream.linear.gather @!p0 [spmem:s25], $0x2800, $0x38;
	[tilespmem:$0x1E880] =	vst v63  }
0x63: {  	_ =	swait.ge @!p0 [sflag:s13], $0x2800  }
0x64: {  	[sflag:s13] =	ssyncset.done @!p0 $0x0  }
0x65: {  	s14 =	rddreg [dreg:$0xc];
	[sflag:s13] =	ssyncadd.s32 @!p0 $0xFFFFD800;
	s13 =	simm.s32 @!p0 $0x0  }
0x66: {  	[hbm4b:s14+s13] =	stream.linear.scatter @!p0 [tilespmem:s12], [sflag:$0x6], $0x2800, $0x38;
	[tilespmem:$0x1E880] =	vst v63  }
0x67: {  	_ =	swait.ge [sflag:s7], $0x2800  }
0x68: {  	[sflag:s7] =	ssyncset.done $0x0  }
0x69: {  	[sflag:s7] =	ssyncadd.s32 $0xFFFFD800  }
0x6a: {  	_ =	swait.ge [sflag:s10], $0x2800  }
0x6b: {  	s11 =	sadd.s32 $0x1, s11;
	s26 =	rddreg [dreg:$0xe]  }
0x6c: {  	p1 =	sne.s32 s11, s26  }
.Ltmp1:
0x6d: {  	_ = 	snop;
	(pc) =	sbr.rel @!p1 .LBB2_12-.Ltmp1, $3  }
0x6e: {  	_ =	sdelay $0x1  }
0x6f: {  	[sflag:s10] =	ssyncset.done $0x0  }
0x70: {  	s18 =	simm.s32 $0x13880;
	[sflag:s10] =	ssyncadd.s32 $0xFFFFD800  }
.LBB2_1:
0x71: {  	s12 =	rddreg [dreg:$0x4]  }
0x72: {  	s19 =	rddreg [dreg:$0xd];
	s20 =	sand.u32 $0xFE00, s4  }
0x73: {  	[tilespmem:s18], [sflag:$0x9] =	stream.linear.gather [hbm4b:s12+s4], $0x280, $0x38;
	[tilespmem:$0x1E880] =	vst v63  }
0x74: {  	s13 =	simm.s32 $0x14080;
	s26 =	sand.u32 $0x70, s4;
	s14 =	sshrl.u32 s20, $0x2  }
0x75: {  	[tilespmem:s13], [sflag:$0x9] =	stream.linear.gather [hbm4b:s19+s4], $0x280, $0x38;
	[tilespmem:$0x1E880] =	vst v63  }
0x76: {  	s12 =	simm.s32 $0x40;
	s14 =	sor.u32 s26, s14;
	s13 =	simm.s32 $0x0  }
.LBB2_2:
0x77: {  	p1 =	sne.s32 s12, $0x9FC0  }
0x78: {  	[tilespmem:s14+$0x1C080] =	vst v0;
	s13 =	sadd.s32 $0x10, s13;
	s14 =	smov.u32 s12;
	s12 =	sadd.s32 $0x40, s12  }
.Ltmp2:
0x79: {  	(pc) =	sbr.rel @p1 .LBB2_2-.Ltmp2, $4  }
0x7a: {  	_ = 	snop  }
0x7b: {  	s14 =	sand.u32 $0xFE00, s14  }
0x7c: {  	s15 =	sand.u32 $0x70, s13;
	s14 =	sshrl.u32 s14, $0x2  }
0x7d: {  	s14 =	sor.u32 s15, s14  }
0x7e: {  	[tilespmem:s14+$0x1C080] =	vst v0  }
0x7f: {  	_ =	swait.ge [sflag:s29], $0x280  }
0x80: {  	[sflag:s29] =	ssyncset.done $0x0  }
0x81: {  	[sflag:s29] =	ssyncadd.s32 $0xFFFFFD80  }
0x82: {  	_ =	swait.ge [sflag:s29], $0x280  }
0x83: {  	[sflag:s29] =	ssyncset.done $0x0  }
0x84: {  	[sflag:s29] =	ssyncadd.s32 $0xFFFFFD80  }
0x85: {  	[tilespmem:s31], [sflag:$0x1] =	stream.indirect.gather [hbm4b:s1+s30], $0x80, s18, s30, $0xb8;
	[tilespmem:$0x1E880] =	vst v63  }
0x86: {  	s12 =	simm.s32 $0x13900  }
0x87: {  	[tilespmem:s3], [sflag:$0x2] =	stream.indirect.gather [hbm4b:s1+s30], $0x80, s12, s30, $0xb8;
	[tilespmem:$0x1E880] =	vst v63  }
0x88: {  	s20 =	simm.s32 $0x13980;
	s13 =	simm.s32 $0x19880  }
0x89: {  	[tilespmem:s13], [sflag:$0x3] =	stream.indirect.gather [hbm4b:s1+s30], $0x80, s20, s30, $0xb8;
	[tilespmem:$0x1E880] =	vst v63  }
0x8a: {  	_ = 	snop  }
0x8b: {  	[spmem:s16] =	stream.linear.scatter [tilespmem:s28], [sflag:$0xA], $0x2800, $0x38;
	[tilespmem:$0x1E880] =	vst v63  }
0x8c: {  	_ =	swait.ge [sflag:s0], $0x2800  }
0x8d: {  	[sflag:s0] =	ssyncset.done $0x0  }
0x8e: {  	[sflag:s0] =	ssyncadd.s32 $0xFFFFD800  }
0x8f: {  	[spmem:s17] =	stream.linear.scatter [tilespmem:s28], [sflag:$0xA], $0x2800, $0x38;
	[tilespmem:$0x1E880] =	vst v63  }
0x90: {  	_ =	swait.ge [sflag:s0], $0x2800  }
0x91: {  	[sflag:s0] =	ssyncset.done $0x0  }
0x92: {  	s26 =	rddreg [dreg:$0xf];
	[sflag:s0] =	ssyncadd.s32 $0xFFFFD800  }
0x93: {  	[spmem:s26] =	stream.linear.scatter [tilespmem:s28], [sflag:$0xA], $0x2800, $0x38;
	[tilespmem:$0x1E880] =	vst v63  }
0x94: {  	_ =	swait.ge [sflag:s0], $0x2800  }
0x95: {  	[sflag:s0] =	ssyncset.done $0x0  }
0x96: {  	[sflag:s0] =	ssyncadd.s32 $0xFFFFD800  }
0x97: {  	[spmem:s21] =	stream.linear.scatter [tilespmem:s28], [sflag:$0xA], $0x2800, $0x38;
	[tilespmem:$0x1E880] =	vst v63  }
0x98: {  	_ =	swait.ge [sflag:s0], $0x2800  }
0x99: {  	[sflag:s0] =	ssyncset.done $0x0  }
0x9a: {  	[sflag:s0] =	ssyncadd.s32 $0xFFFFD800  }
0x9b: {  	[spmem:s22] =	stream.linear.scatter [tilespmem:s28], [sflag:$0xA], $0x2800, $0x38;
	[tilespmem:$0x1E880] =	vst v63  }
0x9c: {  	_ =	swait.ge [sflag:s0], $0x2800  }
0x9d: {  	[sflag:s0] =	ssyncset.done $0x0  }
0x9e: {  	[sflag:s0] =	ssyncadd.s32 $0xFFFFD800  }
0x9f: {  	[spmem:s23] =	stream.linear.scatter [tilespmem:s28], [sflag:$0xA], $0x2800, $0x38;
	[tilespmem:$0x1E880] =	vst v63  }
0xa0: {  	_ =	swait.ge [sflag:s0], $0x2800  }
0xa1: {  	[sflag:s0] =	ssyncset.done $0x0  }
0xa2: {  	[sflag:s0] =	ssyncadd.s32 $0xFFFFD800  }
0xa3: {  	[spmem:s24] =	stream.linear.scatter [tilespmem:s28], [sflag:$0xA], $0x2800, $0x38;
	[tilespmem:$0x1E880] =	vst v63  }
0xa4: {  	_ =	swait.ge [sflag:s0], $0x2800  }
0xa5: {  	[sflag:s0] =	ssyncset.done $0x0  }
0xa6: {  	s12 =	simm.s32 @!p0 $0x1C080;
	[sflag:s0] =	ssyncadd.s32 $0xFFFFD800  }
0xa7: {  	[spmem:s25] =	stream.linear.scatter @!p0 [tilespmem:s12], [sflag:$0xA], $0x2800, $0x38;
	[tilespmem:$0x1E880] =	vst v63  }
0xa8: {  	s12 =	simm.s32 @!p0 $0xA  }
0xa9: {  	_ =	swait.ge @!p0 [sflag:s12], $0x2800  }
0xaa: {  	[sflag:s12] =	ssyncset.done @!p0 $0x0  }
0xab: {  	s19 =	smov.u32 s16;
	[sflag:s12] =	ssyncadd.s32 @!p0 $0xFFFFD800  }
0xac: {  	s20 =	smov.u32 s17;
	s12 =	simm.s32 $0x0;
	[bflag:$0x0] =	sbarrier.arrive $0xFFFF  }
.LBB2_4:
0xad: {  	s13 =	smul.u32 $0xCD, s12;
	_ =	sdelay $0x1  }
0xae: {  	s13 =	sshrl.u32 s13, $0xA  }
0xaf: {  	s15 =	sand.u32 $0x3F, s13;
	s13 =	sand.u32 $0x3, s12  }
0xb0: {  	s14 =	smul.u32 $0x5, s15;
	s16 =	sadd.s32 $0x1, s13  }
0xb1: {  	_ =	swait.ge [sflag:s16], $0x2800  }
0xb2: {  	p1 =	sgt.u32 s12, $0x77;
	s14 =	ssub.s32 s12, s14;
	[sflag:s16] =	ssyncset.done $0x0  }
0xb3: {  	[sflag:s16] =	ssyncadd.s32 $0xFFFFD800;
	s16 =	sand.u32 @!p1 $0xFF, s14  }
0xb4: {  	p2 =	seq.s32 s12, $0x0;
	p3 =	sne.s32 @!p1 s16, $0x0  }
0xb5: {  	s17 =	sadd.s32 @!p2 $0xFFFFFFFF, s12;
	p3 =	por p1, p3  }
.Ltmp3:
0xb6: {  	s17 =	sand.u32 @!p2 $0x3, s17;
	(pc) =	sbr.rel @p3 .LBB2_6-.Ltmp3, $4  }
0xb7: {  	s17 =	sadd.s32 @!p2 $0x5, s17  }
0xb8: {  	_ =	swait.ge @!p2 [sflag:s17], $0x2800  }
0xb9: {  	[sflag:s17] =	ssyncset.done @!p2 $0x0  }
0xba: {  	s15 =	sshll.u32 s15, $0xA;
	[sflag:s17] =	ssyncadd.s32 @!p2 $0xFFFFD800  }
0xbb: {  	s16 =	sadd.s32 $0x400, s15  }
0xbc: {  	s17 =	sadd.s32 s5, s16  }
.Ltmp4:
0xbd: {  	s16 =	sand.u32 $0x400, s16;
	s17 =	sshrl.u32 s17, $0x3;
	(pc) =	sbr.rel .LBB2_9-.Ltmp4, $4  }
0xbe: {  	s26 =	sor.u32 $0x13880, s16;
	s17 =	sadd.s32 s6, s17  }
0xbf: {  	[tilespmem:s26], [sflag:$0x9] =	stream.linear.gather [hbm4b:s17+s4], $0x280, $0x38;
	[tilespmem:$0x1E880] =	vst v63  }
0xc0: {  	s16 =	sor.u32 $0x14080, s16;
	s17 =	sadd.s32 $0x19000, s17  }
0xc1: {  	[tilespmem:s16], [sflag:$0x9] =	stream.linear.gather [hbm4b:s17+s4], $0x280, $0x38;
	[tilespmem:$0x1E880] =	vst v63  }
.LBB2_6:
0xc2: {  	p2 =	sne.s32 @!p1 s16, $0x2  }
0xc3: {  	p1 =	por p1, p2  }
.Ltmp5:
0xc4: {  	_ = 	snop;
	(pc) =	sbr.rel @p1 .LBB2_8-.Ltmp5, $1  }
0xc5: {  	_ =	sdelay $0x3  }
0xc6: {  	_ =	swait.ge [sflag:s29], $0x280  }
0xc7: {  	[sflag:s29] =	ssyncset.done $0x0  }
0xc8: {  	[sflag:s29] =	ssyncadd.s32 $0xFFFFFD80  }
0xc9: {  	_ =	swait.ge [sflag:s29], $0x280  }
0xca: {  	[sflag:s29] =	ssyncset.done $0x0  }
0xcb: {  	[sflag:s29] =	ssyncadd.s32 $0xFFFFFD80  }
.LBB2_9:
0xcc: {  	s16 =	sadd.s32 $0x3, s12  }
0xcd: {  	s17 =	smul.u32 $0xCD, s16;
	_ =	sdelay $0x1  }
0xce: {  	s26 =	sshrl.u32 s17, $0xA  }
0xcf: {  	s26 =	sand.u32 $0x3F, s26  }
0xd0: {  	s26 =	smul.u32 $0x5, s26;
	_ =	sdelay $0x1  }
0xd1: {  	s18 =	sand.u32 $0x3, s16;
	s16 =	ssub.s32 s16, s26  }
0xd2: {  	s26 =	smul.u32 $0xA000, s18;
	s16 =	sand.u32 $0xFF, s16  }
0xd3: {  	s17 =	sand.u32 $0x400, s17;
	s16 =	sshll.u32 s16, $0x7  }
0xd4: {  	s26 =	sshrl.u32 s26, $0x2;
	s16 =	sor.u32 s16, s17  }
0xd5: {  	s18 =	sadd.s32 $0x1, s18;
	s26 =	sadd.s32 $0x14880, s26;
	s16 =	sadd.s32 $0x13880, s16  }
0xd6: {  	[tilespmem:s26], [sflag:s18] =	stream.indirect.gather [hbm4b:s1+s30], $0x80, s16, s30, $0xb8;
	[tilespmem:$0x1E880] =	vst v63  }
.LBB2_10:
0xd7: {  	s12 =	sadd.s32 $0x1, s12  }
0xd8: {  	s16 =	smul.u32 $0xA000, s13;
	p1 =	sne.s32 s12, $0x7D  }
.Ltmp6:
0xd9: {  	s14 =	sand.u32 $0xFF, s14;
	(pc) =	sbr.rel @p1 .LBB2_4-.Ltmp6, $4  }
.Ltmp7:
0xda: {  	s15 =	sand.u32 $0x400, s15;
	s14 =	sshll.u32 s14, $0x7;
	(pc) =	sbr.rel @!p1 .LBB2_11-.Ltmp7, $4  }
0xdb: {  	s16 =	sshrl.u32 s16, $0x2;
	s14 =	sadd.s32 s14, s15  }
0xdc: {  	s26 =	sadd.s32 $0x5, s13;
	s18 =	sadd.s32 $0x14880, s16;
	s14 =	sadd.s32 $0x14080, s14  }
0xdd: {  	[spmem:s2] =	stream.indirect.scatter.add.f32 [tilespmem:s18], [sflag:s26], $0x80, s14, s30, $0xb8;
	[tilespmem:$0x1E880] =	vst v63  }
0xde: {  	_ = 	snop  }
.LBB2_8:
0xdf: {  	p1 =	sgt.u32 s12, $0x79  }
.Ltmp8:
0xe0: {  	_ = 	snop;
	(pc) =	sbr.rel @p1 .LBB2_10-.Ltmp8, $4  }
.Ltmp9:
0xe1: {  	_ = 	snop;
	(pc) =	sbr.rel @!p1 .LBB2_9-.Ltmp9, $4  }
0xe2: {  	_ = 	snop  }
0xe3: {  	_ = 	snop  }
0xe4: {  	_ = 	snop  }
0xe5: {  	_ = 	snop  }
.LBB2_12:
0xe6: {  	_ =	sfence.sel $0x180000  }
0xe7: {  	[bflag:$0x0] =	sbarrier.arrive $0xFFFF  }
0xe8: {  	_ =	strace $0x90000047  }
0xe9: {  	s0 =	stileid.u32;
	[bflag:$0x2] =	sbarrier.arrive $0xFFFF  }
0xea: {  	p0 =	sne.s32 s0, $0x0;
	s0 =	rddreg [dreg:$0x3]  }
0xeb: {  	s0 =	sadd.s32 @!p0 $0x100000, s0  }
0xec: {  	[sflag:s0] =	ssyncadd.tile.s32 @!p0 $0x1;
	_ =	shalt  }
.Lfunc_end2:
_tile_overlayer_lowered:
.L_overlay_start_2:
0xed: {  	(tag) =	ssettag $0x2  }
0xee: {  	s0 =	rddreg [dreg:$0x0];
	s2 =	stileid.u32  }
0xef: {  	s1 =	rddreg [dreg:$0x1];
	p0 =	sne.s32 s2, $0x0  }
0xf0: {  	s3 =	rddreg [dreg:$0x2];
	[bflag:$0x3] =	sbarrier.arrive $0xFFFF;
	s2 =	simm.s32 @!p0 $0x1C0A  }
0xf1: {  	[timem:s3], [sflag:s2] =	dma.local @!p0 [hbm:s0], s1  }
0xf2: {  	s0 =	simm.s32 @!p0 $0xA  }
0xf3: {  	_ =	swait.ge @!p0 [sflag:s0], s1  }
0xf4: {  	s1 =	ssub.s32 @!p0 $0x0, s1;
	[sflag:s0] =	ssyncset.done @!p0 $0x0  }
0xf5: {  	[sflag:s0] =	ssyncadd.s32 @!p0 s1  }
0xf6: {  	[bflag:$0x3] =	sbarrier.arrive $0xFFFF  }
0xf7: {  	_ =	shalt  }

</sc_bundles>
